<compile_context>
chip_gen: v7x
topology: tpu7x:2x2x1
jax: 0.10.2.dev20260603
libtpu: 0.0.44.dev20260713+nightly
codegen_flags: <defaults>
</compile_context>

<pallas_src>
import functools

import jax
import jax.numpy as jnp
from jax import lax
from jax.experimental import pallas as pl
from jax.experimental.pallas import tpu as pltpu
from jax.experimental.pallas import tpu_sc as plsc

N = 10000
E = 320000
N_PAD = 10240
N_TRASH = 10000
NC, NS = 2, 16
NW = NC * NS
K = 128
CHUNKS = 79
E_PAD = NW * K * CHUNKS
ROWS_PT = N_PAD // NS


def _elu(a):
    return jnp.where(a > 0, a, jnp.exp(jnp.minimum(a, 0.0)) - 1.0)



def _deg_kernel(dst_hbm, out_hbm, dst_v, ones_v, zbuf_v, acc_s):
    cid = lax.axis_index("c")
    sid = lax.axis_index("s")
    zero16 = jnp.zeros((16,), jnp.float32)
    one16 = jnp.ones((16,), jnp.float32)
    for i in range(K // 16):
        ones_v[pl.ds(i * 16, 16)] = one16

    def zb(i, c):
        zbuf_v[pl.ds(i * 16, 16)] = zero16
        return c
    lax.fori_loop(0, ROWS_PT // 16, zb, 0)
    pltpu.sync_copy(zbuf_v, acc_s.at[pl.ds(sid * ROWS_PT, ROWS_PT)])
    plsc.subcore_barrier()

    def body(ci, c):
        base = (cid * NS + sid) * (K * CHUNKS) + ci * K
        pltpu.sync_copy(dst_hbm.at[pl.ds(base, K)], dst_v)
        pltpu.sync_copy(ones_v, acc_s.at[dst_v], add=True)
        return c
    lax.fori_loop(0, CHUNKS, body, 0)
    plsc.subcore_barrier()
    pltpu.sync_copy(acc_s.at[pl.ds(sid * ROWS_PT, ROWS_PT)], zbuf_v)
    pltpu.sync_copy(zbuf_v, out_hbm.at[cid, pl.ds(sid * ROWS_PT, ROWS_PT)])


_deg_pass = functools.partial(
    pl.kernel,
    out_type=jax.ShapeDtypeStruct((NC, N_PAD), jnp.float32),
    mesh=plsc.VectorSubcoreMesh(core_axis_name="c", subcore_axis_name="s"),
    scratch_types=[
        pltpu.VMEM((K,), jnp.int32),
        pltpu.VMEM((K,), jnp.float32),
        pltpu.VMEM((ROWS_PT,), jnp.float32),
        pltpu.VMEM_SHARED((N_PAD,), jnp.float32),
    ],
)(_deg_kernel)


def _make_agg(D):
    zsteps = ROWS_PT // K

    def body(y_hbm, src_hbm, dst_hbm, out_hbm, src_v, dst_v, rows_v, acc_s,
             sem):
        cid = lax.axis_index("c")
        sid = lax.axis_index("s")
        zero16 = jnp.zeros((16,), jnp.float32)

        def zb(i, c):
            for j in range(D // 16):
                rows_v[i, pl.ds(j * 16, 16)] = zero16
            return c
        lax.fori_loop(0, K, zb, 0)
        for j in range(zsteps):
            pltpu.sync_copy(rows_v,
                            acc_s.at[pl.ds(sid * ROWS_PT + j * K, K)])
        plsc.subcore_barrier()

        def chunk(ci, c):
            base = (cid * NS + sid) * (K * CHUNKS) + ci * K
            pltpu.sync_copy(src_hbm.at[pl.ds(base, K)], src_v)
            pltpu.sync_copy(dst_hbm.at[pl.ds(base, K)], dst_v)
            pltpu.async_copy(y_hbm.at[src_v], rows_v, sem).wait()
            pltpu.sync_copy(rows_v, acc_s.at[dst_v], add=True)
            return c
        lax.fori_loop(0, CHUNKS, chunk, 0)
        plsc.subcore_barrier()
        for j in range(zsteps):
            sl = pl.ds(sid * ROWS_PT + j * K, K)
            pltpu.sync_copy(acc_s.at[sl], rows_v)
            pltpu.sync_copy(rows_v, out_hbm.at[cid, sl])

    return functools.partial(
        pl.kernel,
        out_type=jax.ShapeDtypeStruct((NC, N_PAD, D), jnp.float32),
        mesh=plsc.VectorSubcoreMesh(core_axis_name="c", subcore_axis_name="s"),
        scratch_types=[
            pltpu.VMEM((K,), jnp.int32),
            pltpu.VMEM((K,), jnp.int32),
            pltpu.VMEM((K, D), jnp.float32),
            pltpu.VMEM_SHARED((N_PAD, D), jnp.float32),
            pltpu.SemaphoreType.DMA,
        ],
        compiler_params=pltpu.CompilerParams(use_tc_tiling_on_sc=False),
    )(body)


_agg64 = _make_agg(64)
_agg32 = _make_agg(32)



def _dis_from(degp_ref):
    deg = degp_ref[0, :N, :] + degp_ref[1, :N, :] + 1.0
    return lax.rsqrt(deg)


def _tc1_body(x_ref, w1_ref, degp_ref, y1_ref):
    dis = _dis_from(degp_ref)
    y1_ref[...] = jnp.dot(x_ref[...], w1_ref[...],
                          preferred_element_type=jnp.float32) * dis


def _tc2_body(y1_ref, s1_ref, degp_ref, b1_ref, w2_ref, y2_ref):
    dis = _dis_from(degp_ref)
    s = s1_ref[0, :N, :] + s1_ref[1, :N, :]
    agg = dis * (y1_ref[...] + s) + jnp.reshape(b1_ref[...], (1, -1))
    h1 = _elu(agg)
    y2_ref[...] = jnp.dot(h1, w2_ref[...],
                          preferred_element_type=jnp.float32) * dis


def _tc3_body(y2_ref, s2_ref, degp_ref, b2_ref, wc_ref, bc_ref, out_ref):
    dis = _dis_from(degp_ref)
    s = s2_ref[0, :N, :] + s2_ref[1, :N, :]
    agg = dis * (y2_ref[...] + s) + jnp.reshape(b2_ref[...], (1, -1))
    h2 = _elu(agg)
    out_ref[...] = jnp.dot(h2, wc_ref[...],
                           preferred_element_type=jnp.float32) + bc_ref[...]


def _tc1(x, W1, degp):
    return pl.pallas_call(
        _tc1_body,
        out_shape=jax.ShapeDtypeStruct((N, 64), jnp.float32),
    )(x, W1, degp)


def _tc2(y1, s1, degp, b1, W2):
    return pl.pallas_call(
        _tc2_body,
        out_shape=jax.ShapeDtypeStruct((N, 32), jnp.float32),
    )(y1, s1, degp, b1, W2)


def _tc3(y2, s2, degp, b2, Wc, bc):
    return pl.pallas_call(
        _tc3_body,
        out_shape=jax.ShapeDtypeStruct((N, 1), jnp.float32),
    )(y2, s2, degp, b2, Wc, bc)



def kernel(x, edge_index, W1, b1, W2, b2, Wc, bc):
    pad = E_PAD - E
    src = jnp.concatenate([edge_index[0],
                           jnp.zeros((pad,), jnp.int32)])
    dst = jnp.concatenate([edge_index[1],
                           jnp.full((pad,), N_TRASH, jnp.int32)])

    degp = _deg_pass(dst)
    degp3 = jnp.reshape(degp, (NC, N_PAD, 1))

    y1 = _tc1(x, W1, degp3)
    s1 = _agg64(y1, src, dst)
    y2 = _tc2(y1, s1, degp3, b1, W2)
    s2 = _agg32(y2, src, dst)
    out = _tc3(y2, s2, degp3, b2, Wc, bc)
    return out[:, 0]

# --- scband reference (transcript-rebuilt; emitter-appended) ---
"""Pipeline reference for scband-gcnbaseline-17781164606102 (READ-ONLY COPY).

The authoritative reference and input builder live on the scoring server;
editing this copy changes nothing except your own understanding.
"""

import jax, jax.numpy as jnp
import numpy as np

N_NODES = 10000
N_EDGES = 320000
D_IN, D_HID, D_OUT = 128, 64, 32


def setup_inputs(seed: int = 0) -> dict:
    key = jax.random.key(seed)
    ks = jax.random.split(key, 8)
    x = jax.random.normal(ks[0], (N_NODES, D_IN), dtype=jnp.float32)
    edge_index = jax.random.randint(ks[1], (2, N_EDGES), 0, N_NODES, dtype=jnp.int32)
    W1 = jax.random.normal(ks[2], (D_IN, D_HID), dtype=jnp.float32) * (1.0 / np.sqrt(D_IN))
    b1 = jnp.zeros((D_HID,), dtype=jnp.float32)
    W2 = jax.random.normal(ks[3], (D_HID, D_OUT), dtype=jnp.float32) * (1.0 / np.sqrt(D_HID))
    b2 = jnp.zeros((D_OUT,), dtype=jnp.float32)
    Wc = jax.random.normal(ks[4], (D_OUT, 1), dtype=jnp.float32) * (1.0 / np.sqrt(D_OUT))
    bc = jnp.zeros((1,), dtype=jnp.float32)
    return {"x": x, "edge_index": edge_index, "W1": W1, "b1": b1, "W2": W2, "b2": b2, "Wc": Wc, "bc": bc}


def gcn_conv(x, edge_index, W, b):
    # PyG GCNConv: add self-loops, symmetric D^{-1/2} (A+I) D^{-1/2} normalization
    n = x.shape[0]
    loop = jnp.arange(n, dtype=edge_index.dtype)
    src = jnp.concatenate([edge_index[0], loop])
    dst = jnp.concatenate([edge_index[1], loop])
    deg = jnp.zeros((n,), dtype=x.dtype).at[dst].add(1.0)
    deg_inv_sqrt = jnp.where(deg > 0, jax.lax.rsqrt(jnp.maximum(deg, 1e-12)), 0.0)
    norm = deg_inv_sqrt[src] * deg_inv_sqrt[dst]
    xw = x @ W
    msg = xw[src] * norm[:, None]
    out = jnp.zeros((n, W.shape[1]), dtype=x.dtype).at[dst].add(msg)
    return out + b


def reference(x, edge_index, W1, b1, W2, b2, Wc, bc):
    h = jax.nn.elu(gcn_conv(x, edge_index, W1, b1))
    h = jax.nn.elu(gcn_conv(h, edge_index, W2, b2))
    return (h @ Wc + bc)[:, 0]

if __name__ == "__main__":
    import jax
    _d = setup_inputs()
    print(jax.jit(kernel)(*tuple(_d.values())))

</pallas_src>

<mosaic_0001>
#map = affine_map<(d0, d1) -> (0, 0)>
#map1 = affine_map<(d0, d1) -> (0)>
#map2 = affine_map<(d0, d1) -> (0, 0, 0)>
module attributes {stable_mosaic.version = 14 : i64} {
  func.func @body(%arg0: i32, %arg1: i32, %arg2: memref<10000x64xf32, #tpu.memory_space<hbm>>, %arg3: memref<323584xi32, #tpu.memory_space<hbm>>, %arg4: memref<323584xi32, #tpu.memory_space<hbm>>, %arg5: memref<2x10240x64xf32, #tpu.memory_space<hbm>>, %arg6: memref<128xi32, #tpu.memory_space<vmem>>, %arg7: memref<128xi32, #tpu.memory_space<vmem>>, %arg8: memref<128x64xf32, #tpu.memory_space<vmem>>, %arg9: memref<10240x64xf32, #tpu.memory_space<vmem_shared>>, %arg10: memref<!tpu.dma_semaphore, #tpu.memory_space<semaphore_mem>>) attributes {dimension_semantics = [#tpu.dimension_semantics<core_parallel>, #tpu.dimension_semantics<subcore_parallel>], iteration_bounds = array<i64: 2, 16>, scalar_prefetch = 0 : i64, scratch_operands = 5 : i64, tpu.core_type = #tpu.core_type<sc_vector_subcore>, window_params = [{transform_indices = #map}, {transform_indices = #map1}, {transform_indices = #map1}, {transform_indices = #map2}]} {
    %broadcast_in_dim3A = arith.constant 0.000000e+00 : f32
    %broadcast_in_dim3A_0 = vector.broadcast %broadcast_in_dim3A : f32 to vector<16xf32>
    %scan3A = arith.constant 0 : i32
    %scan3A_1 = arith.constant 0 : i32
    %scan3A_2 = arith.constant 128 : i32
    %scan3A_3 = arith.addi %scan3A_1, %scan3A_2 : i32
    %scan3A_4 = arith.constant 1 : i32
    scf.for %scan3A_51 = %scan3A_1 to %scan3A_3 step %scan3A_4  : i32 {
      %swap3A = arith.index_cast %scan3A_51 : i32 to index
      %swap3A_52 = arith.constant 0 : index
      %swap3A_53 = tpu.vector_load %arg8[%swap3A, %swap3A_52] {strides = array<i32>} : memref<128x64xf32, #tpu.memory_space<vmem>>, vector<1x16xf32>,
      %swap3A_54 = vector.shape_cast %swap3A_53 : vector<1x16xf32> to vector<16xf32>
      %swap3A_55 = vector.shape_cast %broadcast_in_dim3A_0 : vector<16xf32> to vector<1x16xf32>
      tpu.vector_store %arg8[%swap3A, %swap3A_52], %swap3A_55 {strides = array<i32>} : memref<128x64xf32, #tpu.memory_space<vmem>>, vector<1x16xf32>,
      %swap3A_56 = arith.index_cast %scan3A_51 : i32 to index
      %swap3A_57 = arith.constant 16 : index
      %swap3A_58 = tpu.vector_load %arg8[%swap3A_56, %swap3A_57] {strides = array<i32>} : memref<128x64xf32, #tpu.memory_space<vmem>>, vector<1x16xf32>,
      %swap3A_59 = vector.shape_cast %swap3A_58 : vector<1x16xf32> to vector<16xf32>
      %swap3A_60 = vector.shape_cast %broadcast_in_dim3A_0 : vector<16xf32> to vector<1x16xf32>
      tpu.vector_store %arg8[%swap3A_56, %swap3A_57], %swap3A_60 {strides = array<i32>} : memref<128x64xf32, #tpu.memory_space<vmem>>, vector<1x16xf32>,
      %swap3A_61 = arith.index_cast %scan3A_51 : i32 to index
      %swap3A_62 = arith.constant 32 : index
      %swap3A_63 = tpu.vector_load %arg8[%swap3A_61, %swap3A_62] {strides = array<i32>} : memref<128x64xf32, #tpu.memory_space<vmem>>, vector<1x16xf32>,
      %swap3A_64 = vector.shape_cast %swap3A_63 : vector<1x16xf32> to vector<16xf32>
      %swap3A_65 = vector.shape_cast %broadcast_in_dim3A_0 : vector<16xf32> to vector<1x16xf32>
      tpu.vector_store %arg8[%swap3A_61, %swap3A_62], %swap3A_65 {strides = array<i32>} : memref<128x64xf32, #tpu.memory_space<vmem>>, vector<1x16xf32>,
      %swap3A_66 = arith.index_cast %scan3A_51 : i32 to index
      %swap3A_67 = arith.constant 48 : index
      %swap3A_68 = tpu.vector_load %arg8[%swap3A_66, %swap3A_67] {strides = array<i32>} : memref<128x64xf32, #tpu.memory_space<vmem>>, vector<1x16xf32>,
      %swap3A_69 = vector.shape_cast %swap3A_68 : vector<1x16xf32> to vector<16xf32>
      %swap3A_70 = vector.shape_cast %broadcast_in_dim3A_0 : vector<16xf32> to vector<1x16xf32>
      tpu.vector_store %arg8[%swap3A_66, %swap3A_67], %swap3A_70 {strides = array<i32>} : memref<128x64xf32, #tpu.memory_space<vmem>>, vector<1x16xf32>,
    }
    %scan3A_5 = arith.constant 128 : i32
    %mul3A = arith.constant 640 : i32
    %mul3A_6 = arith.muli %arg1, %mul3A : i32
    %add3A = arith.constant 0 : i32
    %add3A_7 = arith.addi %mul3A_6, %add3A : i32
    "tpu.region"() ({
      %run_scoped3A = tpu.sem_alloc : memref<!tpu.dma_semaphore, #tpu.memory_space<semaphore_mem>>
      %dma_start3A = arith.constant 0 : i32
      %dma_start3A_51 = tpu.memref_slice %arg9[%add3A_7, %dma_start3A] : memref<10240x64xf32, #tpu.memory_space<vmem_shared>> -> memref<128x64xf32, #tpu.memory_space<vmem_shared>>
      %dma_start3A_52 = arith.constant 0 : i32
      %dma_start3A_53 = tpu.memref_slice %arg9[%add3A_7, %dma_start3A_52] : memref<10240x64xf32, #tpu.memory_space<vmem_shared>> -> memref<128x64xf32, #tpu.memory_space<vmem_shared>>
      tpu.enqueue_dma source(%arg8 : memref<128x64xf32, #tpu.memory_space<vmem>>) target(%dma_start3A_53 : memref<128x64xf32, #tpu.memory_space<vmem_shared>>) target_semaphore(%run_scoped3A : memref<!tpu.dma_semaphore, #tpu.memory_space<semaphore_mem>>)
      %dma_wait3A = arith.constant 0 : i32
      %dma_wait3A_54 = tpu.memref_slice %arg9[%add3A_7, %dma_wait3A] : memref<10240x64xf32, #tpu.memory_space<vmem_shared>> -> memref<128x64xf32, #tpu.memory_space<vmem_shared>>
      %dma_wait3A_55 = arith.constant 0 : i32
      %dma_wait3A_56 = tpu.memref_slice %arg9[%add3A_7, %dma_wait3A_55] : memref<10240x64xf32, #tpu.memory_space<vmem_shared>> -> memref<128x64xf32, #tpu.memory_space<vmem_shared>>
      tpu.wait_dma2 semaphore(%run_scoped3A : memref<!tpu.dma_semaphore, #tpu.memory_space<semaphore_mem>>) src(%arg8 : memref<128x64xf32, #tpu.memory_space<vmem>>) dst(%dma_wait3A_56 : memref<128x64xf32, #tpu.memory_space<vmem_shared>>)
      tpu.yield
    }) : () -> ()
    %mul3A_8 = arith.constant 640 : i32
    %mul3A_9 = arith.muli %arg1, %mul3A_8 : i32
    %add3A_10 = arith.constant 128 : i32
    %add3A_11 = arith.addi %mul3A_9, %add3A_10 : i32
    "tpu.region"() ({
      %run_scoped3A = tpu.sem_alloc : memref<!tpu.dma_semaphore, #tpu.memory_space<semaphore_mem>>
      %dma_start3A = arith.constant 0 : i32
      %dma_start3A_51 = tpu.memref_slice %arg9[%add3A_11, %dma_start3A] : memref<10240x64xf32, #tpu.memory_space<vmem_shared>> -> memref<128x64xf32, #tpu.memory_space<vmem_shared>>
      %dma_start3A_52 = arith.constant 0 : i32
      %dma_start3A_53 = tpu.memref_slice %arg9[%add3A_11, %dma_start3A_52] : memref<10240x64xf32, #tpu.memory_space<vmem_shared>> -> memref<128x64xf32, #tpu.memory_space<vmem_shared>>
      tpu.enqueue_dma source(%arg8 : memref<128x64xf32, #tpu.memory_space<vmem>>) target(%dma_start3A_53 : memref<128x64xf32, #tpu.memory_space<vmem_shared>>) target_semaphore(%run_scoped3A : memref<!tpu.dma_semaphore, #tpu.memory_space<semaphore_mem>>)
      %dma_wait3A = arith.constant 0 : i32
      %dma_wait3A_54 = tpu.memref_slice %arg9[%add3A_11, %dma_wait3A] : memref<10240x64xf32, #tpu.memory_space<vmem_shared>> -> memref<128x64xf32, #tpu.memory_space<vmem_shared>>
      %dma_wait3A_55 = arith.constant 0 : i32
      %dma_wait3A_56 = tpu.memref_slice %arg9[%add3A_11, %dma_wait3A_55] : memref<10240x64xf32, #tpu.memory_space<vmem_shared>> -> memref<128x64xf32, #tpu.memory_space<vmem_shared>>
      tpu.wait_dma2 semaphore(%run_scoped3A : memref<!tpu.dma_semaphore, #tpu.memory_space<semaphore_mem>>) src(%arg8 : memref<128x64xf32, #tpu.memory_space<vmem>>) dst(%dma_wait3A_56 : memref<128x64xf32, #tpu.memory_space<vmem_shared>>)
      tpu.yield
    }) : () -> ()
    %mul3A_12 = arith.constant 640 : i32
    %mul3A_13 = arith.muli %arg1, %mul3A_12 : i32
    %add3A_14 = arith.constant 256 : i32
    %add3A_15 = arith.addi %mul3A_13, %add3A_14 : i32
    "tpu.region"() ({
      %run_scoped3A = tpu.sem_alloc : memref<!tpu.dma_semaphore, #tpu.memory_space<semaphore_mem>>
      %dma_start3A = arith.constant 0 : i32
      %dma_start3A_51 = tpu.memref_slice %arg9[%add3A_15, %dma_start3A] : memref<10240x64xf32, #tpu.memory_space<vmem_shared>> -> memref<128x64xf32, #tpu.memory_space<vmem_shared>>
      %dma_start3A_52 = arith.constant 0 : i32
      %dma_start3A_53 = tpu.memref_slice %arg9[%add3A_15, %dma_start3A_52] : memref<10240x64xf32, #tpu.memory_space<vmem_shared>> -> memref<128x64xf32, #tpu.memory_space<vmem_shared>>
      tpu.enqueue_dma source(%arg8 : memref<128x64xf32, #tpu.memory_space<vmem>>) target(%dma_start3A_53 : memref<128x64xf32, #tpu.memory_space<vmem_shared>>) target_semaphore(%run_scoped3A : memref<!tpu.dma_semaphore, #tpu.memory_space<semaphore_mem>>)
      %dma_wait3A = arith.constant 0 : i32
      %dma_wait3A_54 = tpu.memref_slice %arg9[%add3A_15, %dma_wait3A] : memref<10240x64xf32, #tpu.memory_space<vmem_shared>> -> memref<128x64xf32, #tpu.memory_space<vmem_shared>>
      %dma_wait3A_55 = arith.constant 0 : i32
      %dma_wait3A_56 = tpu.memref_slice %arg9[%add3A_15, %dma_wait3A_55] : memref<10240x64xf32, #tpu.memory_space<vmem_shared>> -> memref<128x64xf32, #tpu.memory_space<vmem_shared>>
      tpu.wait_dma2 semaphore(%run_scoped3A : memref<!tpu.dma_semaphore, #tpu.memory_space<semaphore_mem>>) src(%arg8 : memref<128x64xf32, #tpu.memory_space<vmem>>) dst(%dma_wait3A_56 : memref<128x64xf32, #tpu.memory_space<vmem_shared>>)
      tpu.yield
    }) : () -> ()
    %mul3A_16 = arith.constant 640 : i32
    %mul3A_17 = arith.muli %arg1, %mul3A_16 : i32
    %add3A_18 = arith.constant 384 : i32
    %add3A_19 = arith.addi %mul3A_17, %add3A_18 : i32
    "tpu.region"() ({
      %run_scoped3A = tpu.sem_alloc : memref<!tpu.dma_semaphore, #tpu.memory_space<semaphore_mem>>
      %dma_start3A = arith.constant 0 : i32
      %dma_start3A_51 = tpu.memref_slice %arg9[%add3A_19, %dma_start3A] : memref<10240x64xf32, #tpu.memory_space<vmem_shared>> -> memref<128x64xf32, #tpu.memory_space<vmem_shared>>
      %dma_start3A_52 = arith.constant 0 : i32
      %dma_start3A_53 = tpu.memref_slice %arg9[%add3A_19, %dma_start3A_52] : memref<10240x64xf32, #tpu.memory_space<vmem_shared>> -> memref<128x64xf32, #tpu.memory_space<vmem_shared>>
      tpu.enqueue_dma source(%arg8 : memref<128x64xf32, #tpu.memory_space<vmem>>) target(%dma_start3A_53 : memref<128x64xf32, #tpu.memory_space<vmem_shared>>) target_semaphore(%run_scoped3A : memref<!tpu.dma_semaphore, #tpu.memory_space<semaphore_mem>>)
      %dma_wait3A = arith.constant 0 : i32
      %dma_wait3A_54 = tpu.memref_slice %arg9[%add3A_19, %dma_wait3A] : memref<10240x64xf32, #tpu.memory_space<vmem_shared>> -> memref<128x64xf32, #tpu.memory_space<vmem_shared>>
      %dma_wait3A_55 = arith.constant 0 : i32
      %dma_wait3A_56 = tpu.memref_slice %arg9[%add3A_19, %dma_wait3A_55] : memref<10240x64xf32, #tpu.memory_space<vmem_shared>> -> memref<128x64xf32, #tpu.memory_space<vmem_shared>>
      tpu.wait_dma2 semaphore(%run_scoped3A : memref<!tpu.dma_semaphore, #tpu.memory_space<semaphore_mem>>) src(%arg8 : memref<128x64xf32, #tpu.memory_space<vmem>>) dst(%dma_wait3A_56 : memref<128x64xf32, #tpu.memory_space<vmem_shared>>)
      tpu.yield
    }) : () -> ()
    %mul3A_20 = arith.constant 640 : i32
    %mul3A_21 = arith.muli %arg1, %mul3A_20 : i32
    %add3A_22 = arith.constant 512 : i32
    %add3A_23 = arith.addi %mul3A_21, %add3A_22 : i32
    "tpu.region"() ({
      %run_scoped3A = tpu.sem_alloc : memref<!tpu.dma_semaphore, #tpu.memory_space<semaphore_mem>>
      %dma_start3A = arith.constant 0 : i32
      %dma_start3A_51 = tpu.memref_slice %arg9[%add3A_23, %dma_start3A] : memref<10240x64xf32, #tpu.memory_space<vmem_shared>> -> memref<128x64xf32, #tpu.memory_space<vmem_shared>>
      %dma_start3A_52 = arith.constant 0 : i32
      %dma_start3A_53 = tpu.memref_slice %arg9[%add3A_23, %dma_start3A_52] : memref<10240x64xf32, #tpu.memory_space<vmem_shared>> -> memref<128x64xf32, #tpu.memory_space<vmem_shared>>
      tpu.enqueue_dma source(%arg8 : memref<128x64xf32, #tpu.memory_space<vmem>>) target(%dma_start3A_53 : memref<128x64xf32, #tpu.memory_space<vmem_shared>>) target_semaphore(%run_scoped3A : memref<!tpu.dma_semaphore, #tpu.memory_space<semaphore_mem>>)
      %dma_wait3A = arith.constant 0 : i32
      %dma_wait3A_54 = tpu.memref_slice %arg9[%add3A_23, %dma_wait3A] : memref<10240x64xf32, #tpu.memory_space<vmem_shared>> -> memref<128x64xf32, #tpu.memory_space<vmem_shared>>
      %dma_wait3A_55 = arith.constant 0 : i32
      %dma_wait3A_56 = tpu.memref_slice %arg9[%add3A_23, %dma_wait3A_55] : memref<10240x64xf32, #tpu.memory_space<vmem_shared>> -> memref<128x64xf32, #tpu.memory_space<vmem_shared>>
      tpu.wait_dma2 semaphore(%run_scoped3A : memref<!tpu.dma_semaphore, #tpu.memory_space<semaphore_mem>>) src(%arg8 : memref<128x64xf32, #tpu.memory_space<vmem>>) dst(%dma_wait3A_56 : memref<128x64xf32, #tpu.memory_space<vmem_shared>>)
      tpu.yield
    }) : () -> ()
    %barrier3A = arith.constant 0 : index
    tpu.barrier barrier_id(%barrier3A)
    %scan3A_24 = arith.constant 0 : i32
    %scan3A_25 = arith.constant 0 : i32
    %scan3A_26 = arith.constant 79 : i32
    %scan3A_27 = arith.addi %scan3A_25, %scan3A_26 : i32
    %scan3A_28 = arith.constant 1 : i32
    scf.for %scan3A_51 = %scan3A_25 to %scan3A_27 step %scan3A_28  : i32 {
      %mul3A_52 = arith.constant 16 : i32
      %mul3A_53 = arith.muli %arg0, %mul3A_52 : i32
      %add3A_54 = arith.addi %mul3A_53, %arg1 : i32
      %mul3A_55 = arith.constant 10112 : i32
      %mul3A_56 = arith.muli %add3A_54, %mul3A_55 : i32
      %mul3A_57 = arith.constant 128 : i32
      %mul3A_58 = arith.muli %scan3A_51, %mul3A_57 : i32
      %add3A_59 = arith.addi %mul3A_56, %mul3A_58 : i32
      "tpu.region"() ({
        %run_scoped3A = tpu.sem_alloc : memref<!tpu.dma_semaphore, #tpu.memory_space<semaphore_mem>>
        %dma_start3A_64 = tpu.memref_slice %arg3[%add3A_59] : memref<323584xi32, #tpu.memory_space<hbm>> -> memref<128xi32, #tpu.memory_space<hbm>>
        %dma_start3A_65 = tpu.memref_slice %arg3[%add3A_59] : memref<323584xi32, #tpu.memory_space<hbm>> -> memref<128xi32, #tpu.memory_space<hbm>>
        tpu.enqueue_dma source(%dma_start3A_65 : memref<128xi32, #tpu.memory_space<hbm>>) target(%arg6 : memref<128xi32, #tpu.memory_space<vmem>>) target_semaphore(%run_scoped3A : memref<!tpu.dma_semaphore, #tpu.memory_space<semaphore_mem>>)
        %dma_wait3A_66 = tpu.memref_slice %arg3[%add3A_59] : memref<323584xi32, #tpu.memory_space<hbm>> -> memref<128xi32, #tpu.memory_space<hbm>>
        %dma_wait3A_67 = tpu.memref_slice %arg3[%add3A_59] : memref<323584xi32, #tpu.memory_space<hbm>> -> memref<128xi32, #tpu.memory_space<hbm>>
        tpu.wait_dma2 semaphore(%run_scoped3A : memref<!tpu.dma_semaphore, #tpu.memory_space<semaphore_mem>>) src(%dma_wait3A_67 : memref<128xi32, #tpu.memory_space<hbm>>) dst(%arg6 : memref<128xi32, #tpu.memory_space<vmem>>)
        tpu.yield
      }) : () -> ()
      "tpu.region"() ({
        %run_scoped3A = tpu.sem_alloc : memref<!tpu.dma_semaphore, #tpu.memory_space<semaphore_mem>>
        %dma_start3A_64 = tpu.memref_slice %arg4[%add3A_59] : memref<323584xi32, #tpu.memory_space<hbm>> -> memref<128xi32, #tpu.memory_space<hbm>>
        %dma_start3A_65 = tpu.memref_slice %arg4[%add3A_59] : memref<323584xi32, #tpu.memory_space<hbm>> -> memref<128xi32, #tpu.memory_space<hbm>>
        tpu.enqueue_dma source(%dma_start3A_65 : memref<128xi32, #tpu.memory_space<hbm>>) target(%arg7 : memref<128xi32, #tpu.memory_space<vmem>>) target_semaphore(%run_scoped3A : memref<!tpu.dma_semaphore, #tpu.memory_space<semaphore_mem>>)
        %dma_wait3A_66 = tpu.memref_slice %arg4[%add3A_59] : memref<323584xi32, #tpu.memory_space<hbm>> -> memref<128xi32, #tpu.memory_space<hbm>>
        %dma_wait3A_67 = tpu.memref_slice %arg4[%add3A_59] : memref<323584xi32, #tpu.memory_space<hbm>> -> memref<128xi32, #tpu.memory_space<hbm>>
        tpu.wait_dma2 semaphore(%run_scoped3A : memref<!tpu.dma_semaphore, #tpu.memory_space<semaphore_mem>>) src(%dma_wait3A_67 : memref<128xi32, #tpu.memory_space<hbm>>) dst(%arg7 : memref<128xi32, #tpu.memory_space<vmem>>)
        tpu.yield
      }) : () -> ()
      %dma_start3A = arith.constant 0 : i32
      %dma_start3A_60 = arith.constant 0 : i32
      %dma_start3A_61 = tpu.memref_slice %arg2[%dma_start3A, %dma_start3A_60] : memref<10000x64xf32, #tpu.memory_space<hbm>> -> memref<10000x64xf32, #tpu.memory_space<hbm>>
      tpu.enqueue_indirect_dma source(%dma_start3A_61 : memref<10000x64xf32, #tpu.memory_space<hbm>>) target(%arg8 : memref<128x64xf32, #tpu.memory_space<vmem>>) offsets(%arg6 : memref<128xi32, #tpu.memory_space<vmem>>) semaphore(%arg10 : memref<!tpu.dma_semaphore, #tpu.memory_space<semaphore_mem>>)
      %dma_wait3A = arith.constant 0 : i32
      %dma_wait3A_62 = arith.constant 0 : i32
      %dma_wait3A_63 = tpu.memref_slice %arg2[%dma_wait3A, %dma_wait3A_62] : memref<10000x64xf32, #tpu.memory_space<hbm>> -> memref<10000x64xf32, #tpu.memory_space<hbm>>
      tpu.wait_indirect_dma semaphore(%arg10 : memref<!tpu.dma_semaphore, #tpu.memory_space<semaphore_mem>>) src(%dma_wait3A_63 : memref<10000x64xf32, #tpu.memory_space<hbm>>) dst(%arg8 : memref<128x64xf32, #tpu.memory_space<vmem>>)
      "tpu.region"() ({
        %run_scoped3A = tpu.sem_alloc : memref<!tpu.dma_semaphore, #tpu.memory_space<semaphore_mem>>
        %dma_start3A_64 = arith.constant 0 : i32
        %dma_start3A_65 = arith.constant 0 : i32
        %dma_start3A_66 = tpu.memref_slice %arg9[%dma_start3A_64, %dma_start3A_65] : memref<10240x64xf32, #tpu.memory_space<vmem_shared>> -> memref<10240x64xf32, #tpu.memory_space<vmem_shared>>
        tpu.enqueue_indirect_dma source(%arg8 : memref<128x64xf32, #tpu.memory_space<vmem>>) target(%dma_start3A_66 : memref<10240x64xf32, #tpu.memory_space<vmem_shared>>) offsets(%arg7 : memref<128xi32, #tpu.memory_space<vmem>>) semaphore(%run_scoped3A : memref<!tpu.dma_semaphore, #tpu.memory_space<semaphore_mem>>) {add = true}
        %dma_wait3A_67 = arith.constant 0 : i32
        %dma_wait3A_68 = arith.constant 0 : i32
        %dma_wait3A_69 = tpu.memref_slice %arg9[%dma_wait3A_67, %dma_wait3A_68] : memref<10240x64xf32, #tpu.memory_space<vmem_shared>> -> memref<10240x64xf32, #tpu.memory_space<vmem_shared>>
        tpu.wait_indirect_dma semaphore(%run_scoped3A : memref<!tpu.dma_semaphore, #tpu.memory_space<semaphore_mem>>) src(%arg8 : memref<128x64xf32, #tpu.memory_space<vmem>>) dst(%dma_wait3A_69 : memref<10240x64xf32, #tpu.memory_space<vmem_shared>>)
        tpu.yield
      }) : () -> ()
    }
    %scan3A_29 = arith.constant 79 : i32
    %barrier3A_30 = arith.constant 0 : index
    tpu.barrier barrier_id(%barrier3A_30)
    %mul3A_31 = arith.constant 640 : i32
    %mul3A_32 = arith.muli %arg1, %mul3A_31 : i32
    %add3A_33 = arith.constant 0 : i32
    %add3A_34 = arith.addi %mul3A_32, %add3A_33 : i32
    "tpu.region"() ({
      %run_scoped3A = tpu.sem_alloc : memref<!tpu.dma_semaphore, #tpu.memory_space<semaphore_mem>>
      %dma_start3A = arith.constant 0 : i32
      %dma_start3A_51 = tpu.memref_slice %arg9[%add3A_34, %dma_start3A] : memref<10240x64xf32, #tpu.memory_space<vmem_shared>> -> memref<128x64xf32, #tpu.memory_space<vmem_shared>>
      %dma_start3A_52 = arith.constant 0 : i32
      %dma_start3A_53 = tpu.memref_slice %arg9[%add3A_34, %dma_start3A_52] : memref<10240x64xf32, #tpu.memory_space<vmem_shared>> -> memref<128x64xf32, #tpu.memory_space<vmem_shared>>
      tpu.enqueue_dma source(%dma_start3A_53 : memref<128x64xf32, #tpu.memory_space<vmem_shared>>) target(%arg8 : memref<128x64xf32, #tpu.memory_space<vmem>>) target_semaphore(%run_scoped3A : memref<!tpu.dma_semaphore, #tpu.memory_space<semaphore_mem>>)
      %dma_wait3A = arith.constant 0 : i32
      %dma_wait3A_54 = tpu.memref_slice %arg9[%add3A_34, %dma_wait3A] : memref<10240x64xf32, #tpu.memory_space<vmem_shared>> -> memref<128x64xf32, #tpu.memory_space<vmem_shared>>
      %dma_wait3A_55 = arith.constant 0 : i32
      %dma_wait3A_56 = tpu.memref_slice %arg9[%add3A_34, %dma_wait3A_55] : memref<10240x64xf32, #tpu.memory_space<vmem_shared>> -> memref<128x64xf32, #tpu.memory_space<vmem_shared>>
      tpu.wait_dma2 semaphore(%run_scoped3A : memref<!tpu.dma_semaphore, #tpu.memory_space<semaphore_mem>>) src(%dma_wait3A_56 : memref<128x64xf32, #tpu.memory_space<vmem_shared>>) dst(%arg8 : memref<128x64xf32, #tpu.memory_space<vmem>>)
      tpu.yield
    }) : () -> ()
    "tpu.region"() ({
      %run_scoped3A = tpu.sem_alloc : memref<!tpu.dma_semaphore, #tpu.memory_space<semaphore_mem>>
      %dma_start3A = arith.constant 0 : i32
      %dma_start3A_51 = tpu.memref_slice %arg5[%arg0, %add3A_34, %dma_start3A] : memref<2x10240x64xf32, #tpu.memory_space<hbm>> -> memref<1x128x64xf32, #tpu.memory_space<hbm>>
      %dma_start3A_52 = tpu.memref_squeeze %dma_start3A_51 : memref<1x128x64xf32, #tpu.memory_space<hbm>> -> memref<128x64xf32, #tpu.memory_space<hbm>>
      %dma_start3A_53 = arith.constant 0 : i32
      %dma_start3A_54 = tpu.memref_slice %arg5[%arg0, %add3A_34, %dma_start3A_53] : memref<2x10240x64xf32, #tpu.memory_space<hbm>> -> memref<1x128x64xf32, #tpu.memory_space<hbm>>
      %dma_start3A_55 = tpu.memref_squeeze %dma_start3A_54 : memref<1x128x64xf32, #tpu.memory_space<hbm>> -> memref<128x64xf32, #tpu.memory_space<hbm>>
      tpu.enqueue_dma source(%arg8 : memref<128x64xf32, #tpu.memory_space<vmem>>) target(%dma_start3A_55 : memref<128x64xf32, #tpu.memory_space<hbm>>) target_semaphore(%run_scoped3A : memref<!tpu.dma_semaphore, #tpu.memory_space<semaphore_mem>>)
      %dma_wait3A = arith.constant 0 : i32
      %dma_wait3A_56 = tpu.memref_slice %arg5[%arg0, %add3A_34, %dma_wait3A] : memref<2x10240x64xf32, #tpu.memory_space<hbm>> -> memref<1x128x64xf32, #tpu.memory_space<hbm>>
      %dma_wait3A_57 = tpu.memref_squeeze %dma_wait3A_56 : memref<1x128x64xf32, #tpu.memory_space<hbm>> -> memref<128x64xf32, #tpu.memory_space<hbm>>
      %dma_wait3A_58 = arith.constant 0 : i32
      %dma_wait3A_59 = tpu.memref_slice %arg5[%arg0, %add3A_34, %dma_wait3A_58] : memref<2x10240x64xf32, #tpu.memory_space<hbm>> -> memref<1x128x64xf32, #tpu.memory_space<hbm>>
      %dma_wait3A_60 = tpu.memref_squeeze %dma_wait3A_59 : memref<1x128x64xf32, #tpu.memory_space<hbm>> -> memref<128x64xf32, #tpu.memory_space<hbm>>
      tpu.wait_dma2 semaphore(%run_scoped3A : memref<!tpu.dma_semaphore, #tpu.memory_space<semaphore_mem>>) src(%arg8 : memref<128x64xf32, #tpu.memory_space<vmem>>) dst(%dma_wait3A_60 : memref<128x64xf32, #tpu.memory_space<hbm>>)
      tpu.yield
    }) : () -> ()
    %mul3A_35 = arith.constant 640 : i32
    %mul3A_36 = arith.muli %arg1, %mul3A_35 : i32
    %add3A_37 = arith.constant 128 : i32
    %add3A_38 = arith.addi %mul3A_36, %add3A_37 : i32
    "tpu.region"() ({
      %run_scoped3A = tpu.sem_alloc : memref<!tpu.dma_semaphore, #tpu.memory_space<semaphore_mem>>
      %dma_start3A = arith.constant 0 : i32
      %dma_start3A_51 = tpu.memref_slice %arg9[%add3A_38, %dma_start3A] : memref<10240x64xf32, #tpu.memory_space<vmem_shared>> -> memref<128x64xf32, #tpu.memory_space<vmem_shared>>
      %dma_start3A_52 = arith.constant 0 : i32
      %dma_start3A_53 = tpu.memref_slice %arg9[%add3A_38, %dma_start3A_52] : memref<10240x64xf32, #tpu.memory_space<vmem_shared>> -> memref<128x64xf32, #tpu.memory_space<vmem_shared>>
      tpu.enqueue_dma source(%dma_start3A_53 : memref<128x64xf32, #tpu.memory_space<vmem_shared>>) target(%arg8 : memref<128x64xf32, #tpu.memory_space<vmem>>) target_semaphore(%run_scoped3A : memref<!tpu.dma_semaphore, #tpu.memory_space<semaphore_mem>>)
      %dma_wait3A = arith.constant 0 : i32
      %dma_wait3A_54 = tpu.memref_slice %arg9[%add3A_38, %dma_wait3A] : memref<10240x64xf32, #tpu.memory_space<vmem_shared>> -> memref<128x64xf32, #tpu.memory_space<vmem_shared>>
      %dma_wait3A_55 = arith.constant 0 : i32
      %dma_wait3A_56 = tpu.memref_slice %arg9[%add3A_38, %dma_wait3A_55] : memref<10240x64xf32, #tpu.memory_space<vmem_shared>> -> memref<128x64xf32, #tpu.memory_space<vmem_shared>>
      tpu.wait_dma2 semaphore(%run_scoped3A : memref<!tpu.dma_semaphore, #tpu.memory_space<semaphore_mem>>) src(%dma_wait3A_56 : memref<128x64xf32, #tpu.memory_space<vmem_shared>>) dst(%arg8 : memref<128x64xf32, #tpu.memory_space<vmem>>)
      tpu.yield
    }) : () -> ()
    "tpu.region"() ({
      %run_scoped3A = tpu.sem_alloc : memref<!tpu.dma_semaphore, #tpu.memory_space<semaphore_mem>>
      %dma_start3A = arith.constant 0 : i32
      %dma_start3A_51 = tpu.memref_slice %arg5[%arg0, %add3A_38, %dma_start3A] : memref<2x10240x64xf32, #tpu.memory_space<hbm>> -> memref<1x128x64xf32, #tpu.memory_space<hbm>>
      %dma_start3A_52 = tpu.memref_squeeze %dma_start3A_51 : memref<1x128x64xf32, #tpu.memory_space<hbm>> -> memref<128x64xf32, #tpu.memory_space<hbm>>
      %dma_start3A_53 = arith.constant 0 : i32
      %dma_start3A_54 = tpu.memref_slice %arg5[%arg0, %add3A_38, %dma_start3A_53] : memref<2x10240x64xf32, #tpu.memory_space<hbm>> -> memref<1x128x64xf32, #tpu.memory_space<hbm>>
      %dma_start3A_55 = tpu.memref_squeeze %dma_start3A_54 : memref<1x128x64xf32, #tpu.memory_space<hbm>> -> memref<128x64xf32, #tpu.memory_space<hbm>>
      tpu.enqueue_dma source(%arg8 : memref<128x64xf32, #tpu.memory_space<vmem>>) target(%dma_start3A_55 : memref<128x64xf32, #tpu.memory_space<hbm>>) target_semaphore(%run_scoped3A : memref<!tpu.dma_semaphore, #tpu.memory_space<semaphore_mem>>)
      %dma_wait3A = arith.constant 0 : i32
      %dma_wait3A_56 = tpu.memref_slice %arg5[%arg0, %add3A_38, %dma_wait3A] : memref<2x10240x64xf32, #tpu.memory_space<hbm>> -> memref<1x128x64xf32, #tpu.memory_space<hbm>>
      %dma_wait3A_57 = tpu.memref_squeeze %dma_wait3A_56 : memref<1x128x64xf32, #tpu.memory_space<hbm>> -> memref<128x64xf32, #tpu.memory_space<hbm>>
      %dma_wait3A_58 = arith.constant 0 : i32
      %dma_wait3A_59 = tpu.memref_slice %arg5[%arg0, %add3A_38, %dma_wait3A_58] : memref<2x10240x64xf32, #tpu.memory_space<hbm>> -> memref<1x128x64xf32, #tpu.memory_space<hbm>>
      %dma_wait3A_60 = tpu.memref_squeeze %dma_wait3A_59 : memref<1x128x64xf32, #tpu.memory_space<hbm>> -> memref<128x64xf32, #tpu.memory_space<hbm>>
      tpu.wait_dma2 semaphore(%run_scoped3A : memref<!tpu.dma_semaphore, #tpu.memory_space<semaphore_mem>>) src(%arg8 : memref<128x64xf32, #tpu.memory_space<vmem>>) dst(%dma_wait3A_60 : memref<128x64xf32, #tpu.memory_space<hbm>>)
      tpu.yield
    }) : () -> ()
    %mul3A_39 = arith.constant 640 : i32
    %mul3A_40 = arith.muli %arg1, %mul3A_39 : i32
    %add3A_41 = arith.constant 256 : i32
    %add3A_42 = arith.addi %mul3A_40, %add3A_41 : i32
    "tpu.region"() ({
      %run_scoped3A = tpu.sem_alloc : memref<!tpu.dma_semaphore, #tpu.memory_space<semaphore_mem>>
      %dma_start3A = arith.constant 0 : i32
      %dma_start3A_51 = tpu.memref_slice %arg9[%add3A_42, %dma_start3A] : memref<10240x64xf32, #tpu.memory_space<vmem_shared>> -> memref<128x64xf32, #tpu.memory_space<vmem_shared>>
      %dma_start3A_52 = arith.constant 0 : i32
      %dma_start3A_53 = tpu.memref_slice %arg9[%add3A_42, %dma_start3A_52] : memref<10240x64xf32, #tpu.memory_space<vmem_shared>> -> memref<128x64xf32, #tpu.memory_space<vmem_shared>>
      tpu.enqueue_dma source(%dma_start3A_53 : memref<128x64xf32, #tpu.memory_space<vmem_shared>>) target(%arg8 : memref<128x64xf32, #tpu.memory_space<vmem>>) target_semaphore(%run_scoped3A : memref<!tpu.dma_semaphore, #tpu.memory_space<semaphore_mem>>)
      %dma_wait3A = arith.constant 0 : i32
      %dma_wait3A_54 = tpu.memref_slice %arg9[%add3A_42, %dma_wait3A] : memref<10240x64xf32, #tpu.memory_space<vmem_shared>> -> memref<128x64xf32, #tpu.memory_space<vmem_shared>>
      %dma_wait3A_55 = arith.constant 0 : i32
      %dma_wait3A_56 = tpu.memref_slice %arg9[%add3A_42, %dma_wait3A_55] : memref<10240x64xf32, #tpu.memory_space<vmem_shared>> -> memref<128x64xf32, #tpu.memory_space<vmem_shared>>
      tpu.wait_dma2 semaphore(%run_scoped3A : memref<!tpu.dma_semaphore, #tpu.memory_space<semaphore_mem>>) src(%dma_wait3A_56 : memref<128x64xf32, #tpu.memory_space<vmem_shared>>) dst(%arg8 : memref<128x64xf32, #tpu.memory_space<vmem>>)
      tpu.yield
    }) : () -> ()
    "tpu.region"() ({
      %run_scoped3A = tpu.sem_alloc : memref<!tpu.dma_semaphore, #tpu.memory_space<semaphore_mem>>
      %dma_start3A = arith.constant 0 : i32
      %dma_start3A_51 = tpu.memref_slice %arg5[%arg0, %add3A_42, %dma_start3A] : memref<2x10240x64xf32, #tpu.memory_space<hbm>> -> memref<1x128x64xf32, #tpu.memory_space<hbm>>
      %dma_start3A_52 = tpu.memref_squeeze %dma_start3A_51 : memref<1x128x64xf32, #tpu.memory_space<hbm>> -> memref<128x64xf32, #tpu.memory_space<hbm>>
      %dma_start3A_53 = arith.constant 0 : i32
      %dma_start3A_54 = tpu.memref_slice %arg5[%arg0, %add3A_42, %dma_start3A_53] : memref<2x10240x64xf32, #tpu.memory_space<hbm>> -> memref<1x128x64xf32, #tpu.memory_space<hbm>>
      %dma_start3A_55 = tpu.memref_squeeze %dma_start3A_54 : memref<1x128x64xf32, #tpu.memory_space<hbm>> -> memref<128x64xf32, #tpu.memory_space<hbm>>
      tpu.enqueue_dma source(%arg8 : memref<128x64xf32, #tpu.memory_space<vmem>>) target(%dma_start3A_55 : memref<128x64xf32, #tpu.memory_space<hbm>>) target_semaphore(%run_scoped3A : memref<!tpu.dma_semaphore, #tpu.memory_space<semaphore_mem>>)
      %dma_wait3A = arith.constant 0 : i32
      %dma_wait3A_56 = tpu.memref_slice %arg5[%arg0, %add3A_42, %dma_wait3A] : memref<2x10240x64xf32, #tpu.memory_space<hbm>> -> memref<1x128x64xf32, #tpu.memory_space<hbm>>
      %dma_wait3A_57 = tpu.memref_squeeze %dma_wait3A_56 : memref<1x128x64xf32, #tpu.memory_space<hbm>> -> memref<128x64xf32, #tpu.memory_space<hbm>>
      %dma_wait3A_58 = arith.constant 0 : i32
      %dma_wait3A_59 = tpu.memref_slice %arg5[%arg0, %add3A_42, %dma_wait3A_58] : memref<2x10240x64xf32, #tpu.memory_space<hbm>> -> memref<1x128x64xf32, #tpu.memory_space<hbm>>
      %dma_wait3A_60 = tpu.memref_squeeze %dma_wait3A_59 : memref<1x128x64xf32, #tpu.memory_space<hbm>> -> memref<128x64xf32, #tpu.memory_space<hbm>>
      tpu.wait_dma2 semaphore(%run_scoped3A : memref<!tpu.dma_semaphore, #tpu.memory_space<semaphore_mem>>) src(%arg8 : memref<128x64xf32, #tpu.memory_space<vmem>>) dst(%dma_wait3A_60 : memref<128x64xf32, #tpu.memory_space<hbm>>)
      tpu.yield
    }) : () -> ()
    %mul3A_43 = arith.constant 640 : i32
    %mul3A_44 = arith.muli %arg1, %mul3A_43 : i32
    %add3A_45 = arith.constant 384 : i32
    %add3A_46 = arith.addi %mul3A_44, %add3A_45 : i32
    "tpu.region"() ({
      %run_scoped3A = tpu.sem_alloc : memref<!tpu.dma_semaphore, #tpu.memory_space<semaphore_mem>>
      %dma_start3A = arith.constant 0 : i32
      %dma_start3A_51 = tpu.memref_slice %arg9[%add3A_46, %dma_start3A] : memref<10240x64xf32, #tpu.memory_space<vmem_shared>> -> memref<128x64xf32, #tpu.memory_space<vmem_shared>>
      %dma_start3A_52 = arith.constant 0 : i32
      %dma_start3A_53 = tpu.memref_slice %arg9[%add3A_46, %dma_start3A_52] : memref<10240x64xf32, #tpu.memory_space<vmem_shared>> -> memref<128x64xf32, #tpu.memory_space<vmem_shared>>
      tpu.enqueue_dma source(%dma_start3A_53 : memref<128x64xf32, #tpu.memory_space<vmem_shared>>) target(%arg8 : memref<128x64xf32, #tpu.memory_space<vmem>>) target_semaphore(%run_scoped3A : memref<!tpu.dma_semaphore, #tpu.memory_space<semaphore_mem>>)
      %dma_wait3A = arith.constant 0 : i32
      %dma_wait3A_54 = tpu.memref_slice %arg9[%add3A_46, %dma_wait3A] : memref<10240x64xf32, #tpu.memory_space<vmem_shared>> -> memref<128x64xf32, #tpu.memory_space<vmem_shared>>
      %dma_wait3A_55 = arith.constant 0 : i32
      %dma_wait3A_56 = tpu.memref_slice %arg9[%add3A_46, %dma_wait3A_55] : memref<10240x64xf32, #tpu.memory_space<vmem_shared>> -> memref<128x64xf32, #tpu.memory_space<vmem_shared>>
      tpu.wait_dma2 semaphore(%run_scoped3A : memref<!tpu.dma_semaphore, #tpu.memory_space<semaphore_mem>>) src(%dma_wait3A_56 : memref<128x64xf32, #tpu.memory_space<vmem_shared>>) dst(%arg8 : memref<128x64xf32, #tpu.memory_space<vmem>>)
      tpu.yield
    }) : () -> ()
    "tpu.region"() ({
      %run_scoped3A = tpu.sem_alloc : memref<!tpu.dma_semaphore, #tpu.memory_space<semaphore_mem>>
      %dma_start3A = arith.constant 0 : i32
      %dma_start3A_51 = tpu.memref_slice %arg5[%arg0, %add3A_46, %dma_start3A] : memref<2x10240x64xf32, #tpu.memory_space<hbm>> -> memref<1x128x64xf32, #tpu.memory_space<hbm>>
      %dma_start3A_52 = tpu.memref_squeeze %dma_start3A_51 : memref<1x128x64xf32, #tpu.memory_space<hbm>> -> memref<128x64xf32, #tpu.memory_space<hbm>>
      %dma_start3A_53 = arith.constant 0 : i32
      %dma_start3A_54 = tpu.memref_slice %arg5[%arg0, %add3A_46, %dma_start3A_53] : memref<2x10240x64xf32, #tpu.memory_space<hbm>> -> memref<1x128x64xf32, #tpu.memory_space<hbm>>
      %dma_start3A_55 = tpu.memref_squeeze %dma_start3A_54 : memref<1x128x64xf32, #tpu.memory_space<hbm>> -> memref<128x64xf32, #tpu.memory_space<hbm>>
      tpu.enqueue_dma source(%arg8 : memref<128x64xf32, #tpu.memory_space<vmem>>) target(%dma_start3A_55 : memref<128x64xf32, #tpu.memory_space<hbm>>) target_semaphore(%run_scoped3A : memref<!tpu.dma_semaphore, #tpu.memory_space<semaphore_mem>>)
      %dma_wait3A = arith.constant 0 : i32
      %dma_wait3A_56 = tpu.memref_slice %arg5[%arg0, %add3A_46, %dma_wait3A] : memref<2x10240x64xf32, #tpu.memory_space<hbm>> -> memref<1x128x64xf32, #tpu.memory_space<hbm>>
      %dma_wait3A_57 = tpu.memref_squeeze %dma_wait3A_56 : memref<1x128x64xf32, #tpu.memory_space<hbm>> -> memref<128x64xf32, #tpu.memory_space<hbm>>
      %dma_wait3A_58 = arith.constant 0 : i32
      %dma_wait3A_59 = tpu.memref_slice %arg5[%arg0, %add3A_46, %dma_wait3A_58] : memref<2x10240x64xf32, #tpu.memory_space<hbm>> -> memref<1x128x64xf32, #tpu.memory_space<hbm>>
      %dma_wait3A_60 = tpu.memref_squeeze %dma_wait3A_59 : memref<1x128x64xf32, #tpu.memory_space<hbm>> -> memref<128x64xf32, #tpu.memory_space<hbm>>
      tpu.wait_dma2 semaphore(%run_scoped3A : memref<!tpu.dma_semaphore, #tpu.memory_space<semaphore_mem>>) src(%arg8 : memref<128x64xf32, #tpu.memory_space<vmem>>) dst(%dma_wait3A_60 : memref<128x64xf32, #tpu.memory_space<hbm>>)
      tpu.yield
    }) : () -> ()
    %mul3A_47 = arith.constant 640 : i32
    %mul3A_48 = arith.muli %arg1, %mul3A_47 : i32
    %add3A_49 = arith.constant 512 : i32
    %add3A_50 = arith.addi %mul3A_48, %add3A_49 : i32
    "tpu.region"() ({
      %run_scoped3A = tpu.sem_alloc : memref<!tpu.dma_semaphore, #tpu.memory_space<semaphore_mem>>
      %dma_start3A = arith.constant 0 : i32
      %dma_start3A_51 = tpu.memref_slice %arg9[%add3A_50, %dma_start3A] : memref<10240x64xf32, #tpu.memory_space<vmem_shared>> -> memref<128x64xf32, #tpu.memory_space<vmem_shared>>
      %dma_start3A_52 = arith.constant 0 : i32
      %dma_start3A_53 = tpu.memref_slice %arg9[%add3A_50, %dma_start3A_52] : memref<10240x64xf32, #tpu.memory_space<vmem_shared>> -> memref<128x64xf32, #tpu.memory_space<vmem_shared>>
      tpu.enqueue_dma source(%dma_start3A_53 : memref<128x64xf32, #tpu.memory_space<vmem_shared>>) target(%arg8 : memref<128x64xf32, #tpu.memory_space<vmem>>) target_semaphore(%run_scoped3A : memref<!tpu.dma_semaphore, #tpu.memory_space<semaphore_mem>>)
      %dma_wait3A = arith.constant 0 : i32
      %dma_wait3A_54 = tpu.memref_slice %arg9[%add3A_50, %dma_wait3A] : memref<10240x64xf32, #tpu.memory_space<vmem_shared>> -> memref<128x64xf32, #tpu.memory_space<vmem_shared>>
      %dma_wait3A_55 = arith.constant 0 : i32
      %dma_wait3A_56 = tpu.memref_slice %arg9[%add3A_50, %dma_wait3A_55] : memref<10240x64xf32, #tpu.memory_space<vmem_shared>> -> memref<128x64xf32, #tpu.memory_space<vmem_shared>>
      tpu.wait_dma2 semaphore(%run_scoped3A : memref<!tpu.dma_semaphore, #tpu.memory_space<semaphore_mem>>) src(%dma_wait3A_56 : memref<128x64xf32, #tpu.memory_space<vmem_shared>>) dst(%arg8 : memref<128x64xf32, #tpu.memory_space<vmem>>)
      tpu.yield
    }) : () -> ()
    "tpu.region"() ({
      %run_scoped3A = tpu.sem_alloc : memref<!tpu.dma_semaphore, #tpu.memory_space<semaphore_mem>>
      %dma_start3A = arith.constant 0 : i32
      %dma_start3A_51 = tpu.memref_slice %arg5[%arg0, %add3A_50, %dma_start3A] : memref<2x10240x64xf32, #tpu.memory_space<hbm>> -> memref<1x128x64xf32, #tpu.memory_space<hbm>>
      %dma_start3A_52 = tpu.memref_squeeze %dma_start3A_51 : memref<1x128x64xf32, #tpu.memory_space<hbm>> -> memref<128x64xf32, #tpu.memory_space<hbm>>
      %dma_start3A_53 = arith.constant 0 : i32
      %dma_start3A_54 = tpu.memref_slice %arg5[%arg0, %add3A_50, %dma_start3A_53] : memref<2x10240x64xf32, #tpu.memory_space<hbm>> -> memref<1x128x64xf32, #tpu.memory_space<hbm>>
      %dma_start3A_55 = tpu.memref_squeeze %dma_start3A_54 : memref<1x128x64xf32, #tpu.memory_space<hbm>> -> memref<128x64xf32, #tpu.memory_space<hbm>>
      tpu.enqueue_dma source(%arg8 : memref<128x64xf32, #tpu.memory_space<vmem>>) target(%dma_start3A_55 : memref<128x64xf32, #tpu.memory_space<hbm>>) target_semaphore(%run_scoped3A : memref<!tpu.dma_semaphore, #tpu.memory_space<semaphore_mem>>)
      %dma_wait3A = arith.constant 0 : i32
      %dma_wait3A_56 = tpu.memref_slice %arg5[%arg0, %add3A_50, %dma_wait3A] : memref<2x10240x64xf32, #tpu.memory_space<hbm>> -> memref<1x128x64xf32, #tpu.memory_space<hbm>>
      %dma_wait3A_57 = tpu.memref_squeeze %dma_wait3A_56 : memref<1x128x64xf32, #tpu.memory_space<hbm>> -> memref<128x64xf32, #tpu.memory_space<hbm>>
      %dma_wait3A_58 = arith.constant 0 : i32
      %dma_wait3A_59 = tpu.memref_slice %arg5[%arg0, %add3A_50, %dma_wait3A_58] : memref<2x10240x64xf32, #tpu.memory_space<hbm>> -> memref<1x128x64xf32, #tpu.memory_space<hbm>>
      %dma_wait3A_60 = tpu.memref_squeeze %dma_wait3A_59 : memref<1x128x64xf32, #tpu.memory_space<hbm>> -> memref<128x64xf32, #tpu.memory_space<hbm>>
      tpu.wait_dma2 semaphore(%run_scoped3A : memref<!tpu.dma_semaphore, #tpu.memory_space<semaphore_mem>>) src(%arg8 : memref<128x64xf32, #tpu.memory_space<vmem>>) dst(%dma_wait3A_60 : memref<128x64xf32, #tpu.memory_space<hbm>>)
      tpu.yield
    }) : () -> ()
    return
  }
}

#map = affine_map<(d0, d1) -> (0)>
#map1 = affine_map<(d0, d1) -> (0, 0)>
module attributes {stable_mosaic.version = 14 : i64} {
  func.func @_deg_kernel(%arg0: i32, %arg1: i32, %arg2: memref<323584xi32, #tpu.memory_space<hbm>>, %arg3: memref<2x10240xf32, #tpu.memory_space<hbm>>, %arg4: memref<128xi32, #tpu.memory_space<vmem>>, %arg5: memref<128xf32, #tpu.memory_space<vmem>>, %arg6: memref<640xf32, #tpu.memory_space<vmem>>, %arg7: memref<10240xf32, #tpu.memory_space<vmem_shared>>) attributes {dimension_semantics = [#tpu.dimension_semantics<core_parallel>, #tpu.dimension_semantics<subcore_parallel>], iteration_bounds = array<i64: 2, 16>, scalar_prefetch = 0 : i64, scratch_operands = 4 : i64, tpu.core_type = #tpu.core_type<sc_vector_subcore>, window_params = [{transform_indices = #map}, {transform_indices = #map1}]} {
    %broadcast_in_dim3A = arith.constant 0.000000e+00 : f32
    %broadcast_in_dim3A_0 = vector.broadcast %broadcast_in_dim3A : f32 to vector<16xf32>
    %broadcast_in_dim3A_1 = arith.constant 1.000000e+00 : f32
    %broadcast_in_dim3A_2 = vector.broadcast %broadcast_in_dim3A_1 : f32 to vector<16xf32>
    %swap3A = arith.constant 0 : index
    %swap3A_3 = tpu.vector_load %arg5[%swap3A] {strides = array<i32>} : memref<128xf32, #tpu.memory_space<vmem>>, vector<16xf32>,
    %swap3A_4 = vector.shape_cast %swap3A_3 : vector<16xf32> to vector<16xf32>
    %swap3A_5 = vector.shape_cast %broadcast_in_dim3A_2 : vector<16xf32> to vector<16xf32>
    tpu.vector_store %arg5[%swap3A], %swap3A_5 {strides = array<i32>} : memref<128xf32, #tpu.memory_space<vmem>>, vector<16xf32>,
    %swap3A_6 = arith.constant 16 : index
    %swap3A_7 = tpu.vector_load %arg5[%swap3A_6] {strides = array<i32>} : memref<128xf32, #tpu.memory_space<vmem>>, vector<16xf32>,
    %swap3A_8 = vector.shape_cast %swap3A_7 : vector<16xf32> to vector<16xf32>
    %swap3A_9 = vector.shape_cast %broadcast_in_dim3A_2 : vector<16xf32> to vector<16xf32>
    tpu.vector_store %arg5[%swap3A_6], %swap3A_9 {strides = array<i32>} : memref<128xf32, #tpu.memory_space<vmem>>, vector<16xf32>,
    %swap3A_10 = arith.constant 32 : index
    %swap3A_11 = tpu.vector_load %arg5[%swap3A_10] {strides = array<i32>} : memref<128xf32, #tpu.memory_space<vmem>>, vector<16xf32>,
    %swap3A_12 = vector.shape_cast %swap3A_11 : vector<16xf32> to vector<16xf32>
    %swap3A_13 = vector.shape_cast %broadcast_in_dim3A_2 : vector<16xf32> to vector<16xf32>
    tpu.vector_store %arg5[%swap3A_10], %swap3A_13 {strides = array<i32>} : memref<128xf32, #tpu.memory_space<vmem>>, vector<16xf32>,
    %swap3A_14 = arith.constant 48 : index
    %swap3A_15 = tpu.vector_load %arg5[%swap3A_14] {strides = array<i32>} : memref<128xf32, #tpu.memory_space<vmem>>, vector<16xf32>,
    %swap3A_16 = vector.shape_cast %swap3A_15 : vector<16xf32> to vector<16xf32>
    %swap3A_17 = vector.shape_cast %broadcast_in_dim3A_2 : vector<16xf32> to vector<16xf32>
    tpu.vector_store %arg5[%swap3A_14], %swap3A_17 {strides = array<i32>} : memref<128xf32, #tpu.memory_space<vmem>>, vector<16xf32>,
    %swap3A_18 = arith.constant 64 : index
    %swap3A_19 = tpu.vector_load %arg5[%swap3A_18] {strides = array<i32>} : memref<128xf32, #tpu.memory_space<vmem>>, vector<16xf32>,
    %swap3A_20 = vector.shape_cast %swap3A_19 : vector<16xf32> to vector<16xf32>
    %swap3A_21 = vector.shape_cast %broadcast_in_dim3A_2 : vector<16xf32> to vector<16xf32>
    tpu.vector_store %arg5[%swap3A_18], %swap3A_21 {strides = array<i32>} : memref<128xf32, #tpu.memory_space<vmem>>, vector<16xf32>,
    %swap3A_22 = arith.constant 80 : index
    %swap3A_23 = tpu.vector_load %arg5[%swap3A_22] {strides = array<i32>} : memref<128xf32, #tpu.memory_space<vmem>>, vector<16xf32>,
    %swap3A_24 = vector.shape_cast %swap3A_23 : vector<16xf32> to vector<16xf32>
    %swap3A_25 = vector.shape_cast %broadcast_in_dim3A_2 : vector<16xf32> to vector<16xf32>
    tpu.vector_store %arg5[%swap3A_22], %swap3A_25 {strides = array<i32>} : memref<128xf32, #tpu.memory_space<vmem>>, vector<16xf32>,
    %swap3A_26 = arith.constant 96 : index
    %swap3A_27 = tpu.vector_load %arg5[%swap3A_26] {strides = array<i32>} : memref<128xf32, #tpu.memory_space<vmem>>, vector<16xf32>,
    %swap3A_28 = vector.shape_cast %swap3A_27 : vector<16xf32> to vector<16xf32>
    %swap3A_29 = vector.shape_cast %broadcast_in_dim3A_2 : vector<16xf32> to vector<16xf32>
    tpu.vector_store %arg5[%swap3A_26], %swap3A_29 {strides = array<i32>} : memref<128xf32, #tpu.memory_space<vmem>>, vector<16xf32>,
    %swap3A_30 = arith.constant 112 : index
    %swap3A_31 = tpu.vector_load %arg5[%swap3A_30] {strides = array<i32>} : memref<128xf32, #tpu.memory_space<vmem>>, vector<16xf32>,
    %swap3A_32 = vector.shape_cast %swap3A_31 : vector<16xf32> to vector<16xf32>
    %swap3A_33 = vector.shape_cast %broadcast_in_dim3A_2 : vector<16xf32> to vector<16xf32>
    tpu.vector_store %arg5[%swap3A_30], %swap3A_33 {strides = array<i32>} : memref<128xf32, #tpu.memory_space<vmem>>, vector<16xf32>,
    %scan3A = arith.constant 0 : i32
    %scan3A_34 = arith.constant 0 : i32
    %scan3A_35 = arith.constant 40 : i32
    %scan3A_36 = arith.addi %scan3A_34, %scan3A_35 : i32
    %scan3A_37 = arith.constant 1 : i32
    scf.for %scan3A_51 = %scan3A_34 to %scan3A_36 step %scan3A_37  : i32 {
      %mul3A_52 = arith.constant 16 : i32
      %mul3A_53 = arith.muli %scan3A_51, %mul3A_52 : i32
      %swap3A_54 = arith.index_cast %mul3A_53 : i32 to index
      %swap3A_55 = tpu.vector_load %arg6[%swap3A_54] {strides = array<i32>} : memref<640xf32, #tpu.memory_space<vmem>>, vector<16xf32>,
      %swap3A_56 = vector.shape_cast %swap3A_55 : vector<16xf32> to vector<16xf32>
      %swap3A_57 = vector.shape_cast %broadcast_in_dim3A_0 : vector<16xf32> to vector<16xf32>
      tpu.vector_store %arg6[%swap3A_54], %swap3A_57 {strides = array<i32>} : memref<640xf32, #tpu.memory_space<vmem>>, vector<16xf32>,
    }
    %scan3A_38 = arith.constant 40 : i32
    %mul3A = arith.constant 640 : i32
    %mul3A_39 = arith.muli %arg1, %mul3A : i32
    "tpu.region"() ({
      %run_scoped3A = tpu.sem_alloc : memref<!tpu.dma_semaphore, #tpu.memory_space<semaphore_mem>>
      %dma_start3A = tpu.memref_slice %arg7[%mul3A_39] : memref<10240xf32, #tpu.memory_space<vmem_shared>> -> memref<640xf32, #tpu.memory_space<vmem_shared>>
      %dma_start3A_51 = tpu.memref_slice %arg7[%mul3A_39] : memref<10240xf32, #tpu.memory_space<vmem_shared>> -> memref<640xf32, #tpu.memory_space<vmem_shared>>
      tpu.enqueue_dma source(%arg6 : memref<640xf32, #tpu.memory_space<vmem>>) target(%dma_start3A_51 : memref<640xf32, #tpu.memory_space<vmem_shared>>) target_semaphore(%run_scoped3A : memref<!tpu.dma_semaphore, #tpu.memory_space<semaphore_mem>>)
      %dma_wait3A = tpu.memref_slice %arg7[%mul3A_39] : memref<10240xf32, #tpu.memory_space<vmem_shared>> -> memref<640xf32, #tpu.memory_space<vmem_shared>>
      %dma_wait3A_52 = tpu.memref_slice %arg7[%mul3A_39] : memref<10240xf32, #tpu.memory_space<vmem_shared>> -> memref<640xf32, #tpu.memory_space<vmem_shared>>
      tpu.wait_dma2 semaphore(%run_scoped3A : memref<!tpu.dma_semaphore, #tpu.memory_space<semaphore_mem>>) src(%arg6 : memref<640xf32, #tpu.memory_space<vmem>>) dst(%dma_wait3A_52 : memref<640xf32, #tpu.memory_space<vmem_shared>>)
      tpu.yield
    }) : () -> ()
    %barrier3A = arith.constant 0 : index
    tpu.barrier barrier_id(%barrier3A)
    %scan3A_40 = arith.constant 0 : i32
    %scan3A_41 = arith.constant 0 : i32
    %scan3A_42 = arith.constant 79 : i32
    %scan3A_43 = arith.addi %scan3A_41, %scan3A_42 : i32
    %scan3A_44 = arith.constant 1 : i32
    scf.for %scan3A_51 = %scan3A_41 to %scan3A_43 step %scan3A_44  : i32 {
      %mul3A_52 = arith.constant 16 : i32
      %mul3A_53 = arith.muli %arg0, %mul3A_52 : i32
      %add3A = arith.addi %mul3A_53, %arg1 : i32
      %mul3A_54 = arith.constant 10112 : i32
      %mul3A_55 = arith.muli %add3A, %mul3A_54 : i32
      %mul3A_56 = arith.constant 128 : i32
      %mul3A_57 = arith.muli %scan3A_51, %mul3A_56 : i32
      %add3A_58 = arith.addi %mul3A_55, %mul3A_57 : i32
      "tpu.region"() ({
        %run_scoped3A = tpu.sem_alloc : memref<!tpu.dma_semaphore, #tpu.memory_space<semaphore_mem>>
        %dma_start3A = tpu.memref_slice %arg2[%add3A_58] : memref<323584xi32, #tpu.memory_space<hbm>> -> memref<128xi32, #tpu.memory_space<hbm>>
        %dma_start3A_59 = tpu.memref_slice %arg2[%add3A_58] : memref<323584xi32, #tpu.memory_space<hbm>> -> memref<128xi32, #tpu.memory_space<hbm>>
        tpu.enqueue_dma source(%dma_start3A_59 : memref<128xi32, #tpu.memory_space<hbm>>) target(%arg4 : memref<128xi32, #tpu.memory_space<vmem>>) target_semaphore(%run_scoped3A : memref<!tpu.dma_semaphore, #tpu.memory_space<semaphore_mem>>)
        %dma_wait3A = tpu.memref_slice %arg2[%add3A_58] : memref<323584xi32, #tpu.memory_space<hbm>> -> memref<128xi32, #tpu.memory_space<hbm>>
        %dma_wait3A_60 = tpu.memref_slice %arg2[%add3A_58] : memref<323584xi32, #tpu.memory_space<hbm>> -> memref<128xi32, #tpu.memory_space<hbm>>
        tpu.wait_dma2 semaphore(%run_scoped3A : memref<!tpu.dma_semaphore, #tpu.memory_space<semaphore_mem>>) src(%dma_wait3A_60 : memref<128xi32, #tpu.memory_space<hbm>>) dst(%arg4 : memref<128xi32, #tpu.memory_space<vmem>>)
        tpu.yield
      }) : () -> ()
      "tpu.region"() ({
        %run_scoped3A = tpu.sem_alloc : memref<!tpu.dma_semaphore, #tpu.memory_space<semaphore_mem>>
        %dma_start3A = arith.constant 0 : i32
        %dma_start3A_59 = tpu.memref_slice %arg7[%dma_start3A] : memref<10240xf32, #tpu.memory_space<vmem_shared>> -> memref<10240xf32, #tpu.memory_space<vmem_shared>>
        tpu.enqueue_indirect_dma source(%arg5 : memref<128xf32, #tpu.memory_space<vmem>>) target(%dma_start3A_59 : memref<10240xf32, #tpu.memory_space<vmem_shared>>) offsets(%arg4 : memref<128xi32, #tpu.memory_space<vmem>>) semaphore(%run_scoped3A : memref<!tpu.dma_semaphore, #tpu.memory_space<semaphore_mem>>) {add = true}
        %dma_wait3A = arith.constant 0 : i32
        %dma_wait3A_60 = tpu.memref_slice %arg7[%dma_wait3A] : memref<10240xf32, #tpu.memory_space<vmem_shared>> -> memref<10240xf32, #tpu.memory_space<vmem_shared>>
        tpu.wait_indirect_dma semaphore(%run_scoped3A : memref<!tpu.dma_semaphore, #tpu.memory_space<semaphore_mem>>) src(%arg5 : memref<128xf32, #tpu.memory_space<vmem>>) dst(%dma_wait3A_60 : memref<10240xf32, #tpu.memory_space<vmem_shared>>)
        tpu.yield
      }) : () -> ()
    }
    %scan3A_45 = arith.constant 79 : i32
    %barrier3A_46 = arith.constant 0 : index
    tpu.barrier barrier_id(%barrier3A_46)
    %mul3A_47 = arith.constant 640 : i32
    %mul3A_48 = arith.muli %arg1, %mul3A_47 : i32
    "tpu.region"() ({
      %run_scoped3A = tpu.sem_alloc : memref<!tpu.dma_semaphore, #tpu.memory_space<semaphore_mem>>
      %dma_start3A = tpu.memref_slice %arg7[%mul3A_48] : memref<10240xf32, #tpu.memory_space<vmem_shared>> -> memref<640xf32, #tpu.memory_space<vmem_shared>>
      %dma_start3A_51 = tpu.memref_slice %arg7[%mul3A_48] : memref<10240xf32, #tpu.memory_space<vmem_shared>> -> memref<640xf32, #tpu.memory_space<vmem_shared>>
      tpu.enqueue_dma source(%dma_start3A_51 : memref<640xf32, #tpu.memory_space<vmem_shared>>) target(%arg6 : memref<640xf32, #tpu.memory_space<vmem>>) target_semaphore(%run_scoped3A : memref<!tpu.dma_semaphore, #tpu.memory_space<semaphore_mem>>)
      %dma_wait3A = tpu.memref_slice %arg7[%mul3A_48] : memref<10240xf32, #tpu.memory_space<vmem_shared>> -> memref<640xf32, #tpu.memory_space<vmem_shared>>
      %dma_wait3A_52 = tpu.memref_slice %arg7[%mul3A_48] : memref<10240xf32, #tpu.memory_space<vmem_shared>> -> memref<640xf32, #tpu.memory_space<vmem_shared>>
      tpu.wait_dma2 semaphore(%run_scoped3A : memref<!tpu.dma_semaphore, #tpu.memory_space<semaphore_mem>>) src(%dma_wait3A_52 : memref<640xf32, #tpu.memory_space<vmem_shared>>) dst(%arg6 : memref<640xf32, #tpu.memory_space<vmem>>)
      tpu.yield
    }) : () -> ()
    %mul3A_49 = arith.constant 640 : i32
    %mul3A_50 = arith.muli %arg1, %mul3A_49 : i32
    "tpu.region"() ({
      %run_scoped3A = tpu.sem_alloc : memref<!tpu.dma_semaphore, #tpu.memory_space<semaphore_mem>>
      %dma_start3A = tpu.memref_slice %arg3[%arg0, %mul3A_50] : memref<2x10240xf32, #tpu.memory_space<hbm>> -> memref<1x640xf32, #tpu.memory_space<hbm>>
      %dma_start3A_51 = tpu.memref_squeeze %dma_start3A : memref<1x640xf32, #tpu.memory_space<hbm>> -> memref<640xf32, #tpu.memory_space<hbm>>
      %dma_start3A_52 = tpu.memref_slice %arg3[%arg0, %mul3A_50] : memref<2x10240xf32, #tpu.memory_space<hbm>> -> memref<1x640xf32, #tpu.memory_space<hbm>>
      %dma_start3A_53 = tpu.memref_squeeze %dma_start3A_52 : memref<1x640xf32, #tpu.memory_space<hbm>> -> memref<640xf32, #tpu.memory_space<hbm>>
      tpu.enqueue_dma source(%arg6 : memref<640xf32, #tpu.memory_space<vmem>>) target(%dma_start3A_53 : memref<640xf32, #tpu.memory_space<hbm>>) target_semaphore(%run_scoped3A : memref<!tpu.dma_semaphore, #tpu.memory_space<semaphore_mem>>)
      %dma_wait3A = tpu.memref_slice %arg3[%arg0, %mul3A_50] : memref<2x10240xf32, #tpu.memory_space<hbm>> -> memref<1x640xf32, #tpu.memory_space<hbm>>
      %dma_wait3A_54 = tpu.memref_squeeze %dma_wait3A : memref<1x640xf32, #tpu.memory_space<hbm>> -> memref<640xf32, #tpu.memory_space<hbm>>
      %dma_wait3A_55 = tpu.memref_slice %arg3[%arg0, %mul3A_50] : memref<2x10240xf32, #tpu.memory_space<hbm>> -> memref<1x640xf32, #tpu.memory_space<hbm>>
      %dma_wait3A_56 = tpu.memref_squeeze %dma_wait3A_55 : memref<1x640xf32, #tpu.memory_space<hbm>> -> memref<640xf32, #tpu.memory_space<hbm>>
      tpu.wait_dma2 semaphore(%run_scoped3A : memref<!tpu.dma_semaphore, #tpu.memory_space<semaphore_mem>>) src(%arg6 : memref<640xf32, #tpu.memory_space<vmem>>) dst(%dma_wait3A_56 : memref<640xf32, #tpu.memory_space<hbm>>)
      tpu.yield
    }) : () -> ()
    return
  }
}

#map = affine_map<(d0, d1) -> (0, 0)>
#map1 = affine_map<(d0, d1) -> (0)>
#map2 = affine_map<(d0, d1) -> (0, 0, 0)>
module attributes {stable_mosaic.version = 14 : i64} {
  func.func @body(%arg0: i32, %arg1: i32, %arg2: memref<10000x32xf32, #tpu.memory_space<hbm>>, %arg3: memref<323584xi32, #tpu.memory_space<hbm>>, %arg4: memref<323584xi32, #tpu.memory_space<hbm>>, %arg5: memref<2x10240x32xf32, #tpu.memory_space<hbm>>, %arg6: memref<128xi32, #tpu.memory_space<vmem>>, %arg7: memref<128xi32, #tpu.memory_space<vmem>>, %arg8: memref<128x32xf32, #tpu.memory_space<vmem>>, %arg9: memref<10240x32xf32, #tpu.memory_space<vmem_shared>>, %arg10: memref<!tpu.dma_semaphore, #tpu.memory_space<semaphore_mem>>) attributes {dimension_semantics = [#tpu.dimension_semantics<core_parallel>, #tpu.dimension_semantics<subcore_parallel>], iteration_bounds = array<i64: 2, 16>, scalar_prefetch = 0 : i64, scratch_operands = 5 : i64, tpu.core_type = #tpu.core_type<sc_vector_subcore>, window_params = [{transform_indices = #map}, {transform_indices = #map1}, {transform_indices = #map1}, {transform_indices = #map2}]} {
    %broadcast_in_dim3A = arith.constant 0.000000e+00 : f32
    %broadcast_in_dim3A_0 = vector.broadcast %broadcast_in_dim3A : f32 to vector<16xf32>
    %scan3A = arith.constant 0 : i32
    %scan3A_1 = arith.constant 0 : i32
    %scan3A_2 = arith.constant 128 : i32
    %scan3A_3 = arith.addi %scan3A_1, %scan3A_2 : i32
    %scan3A_4 = arith.constant 1 : i32
    scf.for %scan3A_51 = %scan3A_1 to %scan3A_3 step %scan3A_4  : i32 {
      %swap3A = arith.index_cast %scan3A_51 : i32 to index
      %swap3A_52 = arith.constant 0 : index
      %swap3A_53 = tpu.vector_load %arg8[%swap3A, %swap3A_52] {strides = array<i32>} : memref<128x32xf32, #tpu.memory_space<vmem>>, vector<1x16xf32>,
      %swap3A_54 = vector.shape_cast %swap3A_53 : vector<1x16xf32> to vector<16xf32>
      %swap3A_55 = vector.shape_cast %broadcast_in_dim3A_0 : vector<16xf32> to vector<1x16xf32>
      tpu.vector_store %arg8[%swap3A, %swap3A_52], %swap3A_55 {strides = array<i32>} : memref<128x32xf32, #tpu.memory_space<vmem>>, vector<1x16xf32>,
      %swap3A_56 = arith.index_cast %scan3A_51 : i32 to index
      %swap3A_57 = arith.constant 16 : index
      %swap3A_58 = tpu.vector_load %arg8[%swap3A_56, %swap3A_57] {strides = array<i32>} : memref<128x32xf32, #tpu.memory_space<vmem>>, vector<1x16xf32>,
      %swap3A_59 = vector.shape_cast %swap3A_58 : vector<1x16xf32> to vector<16xf32>
      %swap3A_60 = vector.shape_cast %broadcast_in_dim3A_0 : vector<16xf32> to vector<1x16xf32>
      tpu.vector_store %arg8[%swap3A_56, %swap3A_57], %swap3A_60 {strides = array<i32>} : memref<128x32xf32, #tpu.memory_space<vmem>>, vector<1x16xf32>,
    }
    %scan3A_5 = arith.constant 128 : i32
    %mul3A = arith.constant 640 : i32
    %mul3A_6 = arith.muli %arg1, %mul3A : i32
    %add3A = arith.constant 0 : i32
    %add3A_7 = arith.addi %mul3A_6, %add3A : i32
    "tpu.region"() ({
      %run_scoped3A = tpu.sem_alloc : memref<!tpu.dma_semaphore, #tpu.memory_space<semaphore_mem>>
      %dma_start3A = arith.constant 0 : i32
      %dma_start3A_51 = tpu.memref_slice %arg9[%add3A_7, %dma_start3A] : memref<10240x32xf32, #tpu.memory_space<vmem_shared>> -> memref<128x32xf32, #tpu.memory_space<vmem_shared>>
      %dma_start3A_52 = arith.constant 0 : i32
      %dma_start3A_53 = tpu.memref_slice %arg9[%add3A_7, %dma_start3A_52] : memref<10240x32xf32, #tpu.memory_space<vmem_shared>> -> memref<128x32xf32, #tpu.memory_space<vmem_shared>>
      tpu.enqueue_dma source(%arg8 : memref<128x32xf32, #tpu.memory_space<vmem>>) target(%dma_start3A_53 : memref<128x32xf32, #tpu.memory_space<vmem_shared>>) target_semaphore(%run_scoped3A : memref<!tpu.dma_semaphore, #tpu.memory_space<semaphore_mem>>)
      %dma_wait3A = arith.constant 0 : i32
      %dma_wait3A_54 = tpu.memref_slice %arg9[%add3A_7, %dma_wait3A] : memref<10240x32xf32, #tpu.memory_space<vmem_shared>> -> memref<128x32xf32, #tpu.memory_space<vmem_shared>>
      %dma_wait3A_55 = arith.constant 0 : i32
      %dma_wait3A_56 = tpu.memref_slice %arg9[%add3A_7, %dma_wait3A_55] : memref<10240x32xf32, #tpu.memory_space<vmem_shared>> -> memref<128x32xf32, #tpu.memory_space<vmem_shared>>
      tpu.wait_dma2 semaphore(%run_scoped3A : memref<!tpu.dma_semaphore, #tpu.memory_space<semaphore_mem>>) src(%arg8 : memref<128x32xf32, #tpu.memory_space<vmem>>) dst(%dma_wait3A_56 : memref<128x32xf32, #tpu.memory_space<vmem_shared>>)
      tpu.yield
    }) : () -> ()
    %mul3A_8 = arith.constant 640 : i32
    %mul3A_9 = arith.muli %arg1, %mul3A_8 : i32
    %add3A_10 = arith.constant 128 : i32
    %add3A_11 = arith.addi %mul3A_9, %add3A_10 : i32
    "tpu.region"() ({
      %run_scoped3A = tpu.sem_alloc : memref<!tpu.dma_semaphore, #tpu.memory_space<semaphore_mem>>
      %dma_start3A = arith.constant 0 : i32
      %dma_start3A_51 = tpu.memref_slice %arg9[%add3A_11, %dma_start3A] : memref<10240x32xf32, #tpu.memory_space<vmem_shared>> -> memref<128x32xf32, #tpu.memory_space<vmem_shared>>
      %dma_start3A_52 = arith.constant 0 : i32
      %dma_start3A_53 = tpu.memref_slice %arg9[%add3A_11, %dma_start3A_52] : memref<10240x32xf32, #tpu.memory_space<vmem_shared>> -> memref<128x32xf32, #tpu.memory_space<vmem_shared>>
      tpu.enqueue_dma source(%arg8 : memref<128x32xf32, #tpu.memory_space<vmem>>) target(%dma_start3A_53 : memref<128x32xf32, #tpu.memory_space<vmem_shared>>) target_semaphore(%run_scoped3A : memref<!tpu.dma_semaphore, #tpu.memory_space<semaphore_mem>>)
      %dma_wait3A = arith.constant 0 : i32
      %dma_wait3A_54 = tpu.memref_slice %arg9[%add3A_11, %dma_wait3A] : memref<10240x32xf32, #tpu.memory_space<vmem_shared>> -> memref<128x32xf32, #tpu.memory_space<vmem_shared>>
      %dma_wait3A_55 = arith.constant 0 : i32
      %dma_wait3A_56 = tpu.memref_slice %arg9[%add3A_11, %dma_wait3A_55] : memref<10240x32xf32, #tpu.memory_space<vmem_shared>> -> memref<128x32xf32, #tpu.memory_space<vmem_shared>>
      tpu.wait_dma2 semaphore(%run_scoped3A : memref<!tpu.dma_semaphore, #tpu.memory_space<semaphore_mem>>) src(%arg8 : memref<128x32xf32, #tpu.memory_space<vmem>>) dst(%dma_wait3A_56 : memref<128x32xf32, #tpu.memory_space<vmem_shared>>)
      tpu.yield
    }) : () -> ()
    %mul3A_12 = arith.constant 640 : i32
    %mul3A_13 = arith.muli %arg1, %mul3A_12 : i32
    %add3A_14 = arith.constant 256 : i32
    %add3A_15 = arith.addi %mul3A_13, %add3A_14 : i32
    "tpu.region"() ({
      %run_scoped3A = tpu.sem_alloc : memref<!tpu.dma_semaphore, #tpu.memory_space<semaphore_mem>>
      %dma_start3A = arith.constant 0 : i32
      %dma_start3A_51 = tpu.memref_slice %arg9[%add3A_15, %dma_start3A] : memref<10240x32xf32, #tpu.memory_space<vmem_shared>> -> memref<128x32xf32, #tpu.memory_space<vmem_shared>>
      %dma_start3A_52 = arith.constant 0 : i32
      %dma_start3A_53 = tpu.memref_slice %arg9[%add3A_15, %dma_start3A_52] : memref<10240x32xf32, #tpu.memory_space<vmem_shared>> -> memref<128x32xf32, #tpu.memory_space<vmem_shared>>
      tpu.enqueue_dma source(%arg8 : memref<128x32xf32, #tpu.memory_space<vmem>>) target(%dma_start3A_53 : memref<128x32xf32, #tpu.memory_space<vmem_shared>>) target_semaphore(%run_scoped3A : memref<!tpu.dma_semaphore, #tpu.memory_space<semaphore_mem>>)
      %dma_wait3A = arith.constant 0 : i32
      %dma_wait3A_54 = tpu.memref_slice %arg9[%add3A_15, %dma_wait3A] : memref<10240x32xf32, #tpu.memory_space<vmem_shared>> -> memref<128x32xf32, #tpu.memory_space<vmem_shared>>
      %dma_wait3A_55 = arith.constant 0 : i32
      %dma_wait3A_56 = tpu.memref_slice %arg9[%add3A_15, %dma_wait3A_55] : memref<10240x32xf32, #tpu.memory_space<vmem_shared>> -> memref<128x32xf32, #tpu.memory_space<vmem_shared>>
      tpu.wait_dma2 semaphore(%run_scoped3A : memref<!tpu.dma_semaphore, #tpu.memory_space<semaphore_mem>>) src(%arg8 : memref<128x32xf32, #tpu.memory_space<vmem>>) dst(%dma_wait3A_56 : memref<128x32xf32, #tpu.memory_space<vmem_shared>>)
      tpu.yield
    }) : () -> ()
    %mul3A_16 = arith.constant 640 : i32
    %mul3A_17 = arith.muli %arg1, %mul3A_16 : i32
    %add3A_18 = arith.constant 384 : i32
    %add3A_19 = arith.addi %mul3A_17, %add3A_18 : i32
    "tpu.region"() ({
      %run_scoped3A = tpu.sem_alloc : memref<!tpu.dma_semaphore, #tpu.memory_space<semaphore_mem>>
      %dma_start3A = arith.constant 0 : i32
      %dma_start3A_51 = tpu.memref_slice %arg9[%add3A_19, %dma_start3A] : memref<10240x32xf32, #tpu.memory_space<vmem_shared>> -> memref<128x32xf32, #tpu.memory_space<vmem_shared>>
      %dma_start3A_52 = arith.constant 0 : i32
      %dma_start3A_53 = tpu.memref_slice %arg9[%add3A_19, %dma_start3A_52] : memref<10240x32xf32, #tpu.memory_space<vmem_shared>> -> memref<128x32xf32, #tpu.memory_space<vmem_shared>>
      tpu.enqueue_dma source(%arg8 : memref<128x32xf32, #tpu.memory_space<vmem>>) target(%dma_start3A_53 : memref<128x32xf32, #tpu.memory_space<vmem_shared>>) target_semaphore(%run_scoped3A : memref<!tpu.dma_semaphore, #tpu.memory_space<semaphore_mem>>)
      %dma_wait3A = arith.constant 0 : i32
      %dma_wait3A_54 = tpu.memref_slice %arg9[%add3A_19, %dma_wait3A] : memref<10240x32xf32, #tpu.memory_space<vmem_shared>> -> memref<128x32xf32, #tpu.memory_space<vmem_shared>>
      %dma_wait3A_55 = arith.constant 0 : i32
      %dma_wait3A_56 = tpu.memref_slice %arg9[%add3A_19, %dma_wait3A_55] : memref<10240x32xf32, #tpu.memory_space<vmem_shared>> -> memref<128x32xf32, #tpu.memory_space<vmem_shared>>
      tpu.wait_dma2 semaphore(%run_scoped3A : memref<!tpu.dma_semaphore, #tpu.memory_space<semaphore_mem>>) src(%arg8 : memref<128x32xf32, #tpu.memory_space<vmem>>) dst(%dma_wait3A_56 : memref<128x32xf32, #tpu.memory_space<vmem_shared>>)
      tpu.yield
    }) : () -> ()
    %mul3A_20 = arith.constant 640 : i32
    %mul3A_21 = arith.muli %arg1, %mul3A_20 : i32
    %add3A_22 = arith.constant 512 : i32
    %add3A_23 = arith.addi %mul3A_21, %add3A_22 : i32
    "tpu.region"() ({
      %run_scoped3A = tpu.sem_alloc : memref<!tpu.dma_semaphore, #tpu.memory_space<semaphore_mem>>
      %dma_start3A = arith.constant 0 : i32
      %dma_start3A_51 = tpu.memref_slice %arg9[%add3A_23, %dma_start3A] : memref<10240x32xf32, #tpu.memory_space<vmem_shared>> -> memref<128x32xf32, #tpu.memory_space<vmem_shared>>
      %dma_start3A_52 = arith.constant 0 : i32
      %dma_start3A_53 = tpu.memref_slice %arg9[%add3A_23, %dma_start3A_52] : memref<10240x32xf32, #tpu.memory_space<vmem_shared>> -> memref<128x32xf32, #tpu.memory_space<vmem_shared>>
      tpu.enqueue_dma source(%arg8 : memref<128x32xf32, #tpu.memory_space<vmem>>) target(%dma_start3A_53 : memref<128x32xf32, #tpu.memory_space<vmem_shared>>) target_semaphore(%run_scoped3A : memref<!tpu.dma_semaphore, #tpu.memory_space<semaphore_mem>>)
      %dma_wait3A = arith.constant 0 : i32
      %dma_wait3A_54 = tpu.memref_slice %arg9[%add3A_23, %dma_wait3A] : memref<10240x32xf32, #tpu.memory_space<vmem_shared>> -> memref<128x32xf32, #tpu.memory_space<vmem_shared>>
      %dma_wait3A_55 = arith.constant 0 : i32
      %dma_wait3A_56 = tpu.memref_slice %arg9[%add3A_23, %dma_wait3A_55] : memref<10240x32xf32, #tpu.memory_space<vmem_shared>> -> memref<128x32xf32, #tpu.memory_space<vmem_shared>>
      tpu.wait_dma2 semaphore(%run_scoped3A : memref<!tpu.dma_semaphore, #tpu.memory_space<semaphore_mem>>) src(%arg8 : memref<128x32xf32, #tpu.memory_space<vmem>>) dst(%dma_wait3A_56 : memref<128x32xf32, #tpu.memory_space<vmem_shared>>)
      tpu.yield
    }) : () -> ()
    %barrier3A = arith.constant 0 : index
    tpu.barrier barrier_id(%barrier3A)
    %scan3A_24 = arith.constant 0 : i32
    %scan3A_25 = arith.constant 0 : i32
    %scan3A_26 = arith.constant 79 : i32
    %scan3A_27 = arith.addi %scan3A_25, %scan3A_26 : i32
    %scan3A_28 = arith.constant 1 : i32
    scf.for %scan3A_51 = %scan3A_25 to %scan3A_27 step %scan3A_28  : i32 {
      %mul3A_52 = arith.constant 16 : i32
      %mul3A_53 = arith.muli %arg0, %mul3A_52 : i32
      %add3A_54 = arith.addi %mul3A_53, %arg1 : i32
      %mul3A_55 = arith.constant 10112 : i32
      %mul3A_56 = arith.muli %add3A_54, %mul3A_55 : i32
      %mul3A_57 = arith.constant 128 : i32
      %mul3A_58 = arith.muli %scan3A_51, %mul3A_57 : i32
      %add3A_59 = arith.addi %mul3A_56, %mul3A_58 : i32
      "tpu.region"() ({
        %run_scoped3A = tpu.sem_alloc : memref<!tpu.dma_semaphore, #tpu.memory_space<semaphore_mem>>
        %dma_start3A_64 = tpu.memref_slice %arg3[%add3A_59] : memref<323584xi32, #tpu.memory_space<hbm>> -> memref<128xi32, #tpu.memory_space<hbm>>
        %dma_start3A_65 = tpu.memref_slice %arg3[%add3A_59] : memref<323584xi32, #tpu.memory_space<hbm>> -> memref<128xi32, #tpu.memory_space<hbm>>
        tpu.enqueue_dma source(%dma_start3A_65 : memref<128xi32, #tpu.memory_space<hbm>>) target(%arg6 : memref<128xi32, #tpu.memory_space<vmem>>) target_semaphore(%run_scoped3A : memref<!tpu.dma_semaphore, #tpu.memory_space<semaphore_mem>>)
        %dma_wait3A_66 = tpu.memref_slice %arg3[%add3A_59] : memref<323584xi32, #tpu.memory_space<hbm>> -> memref<128xi32, #tpu.memory_space<hbm>>
        %dma_wait3A_67 = tpu.memref_slice %arg3[%add3A_59] : memref<323584xi32, #tpu.memory_space<hbm>> -> memref<128xi32, #tpu.memory_space<hbm>>
        tpu.wait_dma2 semaphore(%run_scoped3A : memref<!tpu.dma_semaphore, #tpu.memory_space<semaphore_mem>>) src(%dma_wait3A_67 : memref<128xi32, #tpu.memory_space<hbm>>) dst(%arg6 : memref<128xi32, #tpu.memory_space<vmem>>)
        tpu.yield
      }) : () -> ()
      "tpu.region"() ({
        %run_scoped3A = tpu.sem_alloc : memref<!tpu.dma_semaphore, #tpu.memory_space<semaphore_mem>>
        %dma_start3A_64 = tpu.memref_slice %arg4[%add3A_59] : memref<323584xi32, #tpu.memory_space<hbm>> -> memref<128xi32, #tpu.memory_space<hbm>>
        %dma_start3A_65 = tpu.memref_slice %arg4[%add3A_59] : memref<323584xi32, #tpu.memory_space<hbm>> -> memref<128xi32, #tpu.memory_space<hbm>>
        tpu.enqueue_dma source(%dma_start3A_65 : memref<128xi32, #tpu.memory_space<hbm>>) target(%arg7 : memref<128xi32, #tpu.memory_space<vmem>>) target_semaphore(%run_scoped3A : memref<!tpu.dma_semaphore, #tpu.memory_space<semaphore_mem>>)
        %dma_wait3A_66 = tpu.memref_slice %arg4[%add3A_59] : memref<323584xi32, #tpu.memory_space<hbm>> -> memref<128xi32, #tpu.memory_space<hbm>>
        %dma_wait3A_67 = tpu.memref_slice %arg4[%add3A_59] : memref<323584xi32, #tpu.memory_space<hbm>> -> memref<128xi32, #tpu.memory_space<hbm>>
        tpu.wait_dma2 semaphore(%run_scoped3A : memref<!tpu.dma_semaphore, #tpu.memory_space<semaphore_mem>>) src(%dma_wait3A_67 : memref<128xi32, #tpu.memory_space<hbm>>) dst(%arg7 : memref<128xi32, #tpu.memory_space<vmem>>)
        tpu.yield
      }) : () -> ()
      %dma_start3A = arith.constant 0 : i32
      %dma_start3A_60 = arith.constant 0 : i32
      %dma_start3A_61 = tpu.memref_slice %arg2[%dma_start3A, %dma_start3A_60] : memref<10000x32xf32, #tpu.memory_space<hbm>> -> memref<10000x32xf32, #tpu.memory_space<hbm>>
      tpu.enqueue_indirect_dma source(%dma_start3A_61 : memref<10000x32xf32, #tpu.memory_space<hbm>>) target(%arg8 : memref<128x32xf32, #tpu.memory_space<vmem>>) offsets(%arg6 : memref<128xi32, #tpu.memory_space<vmem>>) semaphore(%arg10 : memref<!tpu.dma_semaphore, #tpu.memory_space<semaphore_mem>>)
      %dma_wait3A = arith.constant 0 : i32
      %dma_wait3A_62 = arith.constant 0 : i32
      %dma_wait3A_63 = tpu.memref_slice %arg2[%dma_wait3A, %dma_wait3A_62] : memref<10000x32xf32, #tpu.memory_space<hbm>> -> memref<10000x32xf32, #tpu.memory_space<hbm>>
      tpu.wait_indirect_dma semaphore(%arg10 : memref<!tpu.dma_semaphore, #tpu.memory_space<semaphore_mem>>) src(%dma_wait3A_63 : memref<10000x32xf32, #tpu.memory_space<hbm>>) dst(%arg8 : memref<128x32xf32, #tpu.memory_space<vmem>>)
      "tpu.region"() ({
        %run_scoped3A = tpu.sem_alloc : memref<!tpu.dma_semaphore, #tpu.memory_space<semaphore_mem>>
        %dma_start3A_64 = arith.constant 0 : i32
        %dma_start3A_65 = arith.constant 0 : i32
        %dma_start3A_66 = tpu.memref_slice %arg9[%dma_start3A_64, %dma_start3A_65] : memref<10240x32xf32, #tpu.memory_space<vmem_shared>> -> memref<10240x32xf32, #tpu.memory_space<vmem_shared>>
        tpu.enqueue_indirect_dma source(%arg8 : memref<128x32xf32, #tpu.memory_space<vmem>>) target(%dma_start3A_66 : memref<10240x32xf32, #tpu.memory_space<vmem_shared>>) offsets(%arg7 : memref<128xi32, #tpu.memory_space<vmem>>) semaphore(%run_scoped3A : memref<!tpu.dma_semaphore, #tpu.memory_space<semaphore_mem>>) {add = true}
        %dma_wait3A_67 = arith.constant 0 : i32
        %dma_wait3A_68 = arith.constant 0 : i32
        %dma_wait3A_69 = tpu.memref_slice %arg9[%dma_wait3A_67, %dma_wait3A_68] : memref<10240x32xf32, #tpu.memory_space<vmem_shared>> -> memref<10240x32xf32, #tpu.memory_space<vmem_shared>>
        tpu.wait_indirect_dma semaphore(%run_scoped3A : memref<!tpu.dma_semaphore, #tpu.memory_space<semaphore_mem>>) src(%arg8 : memref<128x32xf32, #tpu.memory_space<vmem>>) dst(%dma_wait3A_69 : memref<10240x32xf32, #tpu.memory_space<vmem_shared>>)
        tpu.yield
      }) : () -> ()
    }
    %scan3A_29 = arith.constant 79 : i32
    %barrier3A_30 = arith.constant 0 : index
    tpu.barrier barrier_id(%barrier3A_30)
    %mul3A_31 = arith.constant 640 : i32
    %mul3A_32 = arith.muli %arg1, %mul3A_31 : i32
    %add3A_33 = arith.constant 0 : i32
    %add3A_34 = arith.addi %mul3A_32, %add3A_33 : i32
    "tpu.region"() ({
      %run_scoped3A = tpu.sem_alloc : memref<!tpu.dma_semaphore, #tpu.memory_space<semaphore_mem>>
      %dma_start3A = arith.constant 0 : i32
      %dma_start3A_51 = tpu.memref_slice %arg9[%add3A_34, %dma_start3A] : memref<10240x32xf32, #tpu.memory_space<vmem_shared>> -> memref<128x32xf32, #tpu.memory_space<vmem_shared>>
      %dma_start3A_52 = arith.constant 0 : i32
      %dma_start3A_53 = tpu.memref_slice %arg9[%add3A_34, %dma_start3A_52] : memref<10240x32xf32, #tpu.memory_space<vmem_shared>> -> memref<128x32xf32, #tpu.memory_space<vmem_shared>>
      tpu.enqueue_dma source(%dma_start3A_53 : memref<128x32xf32, #tpu.memory_space<vmem_shared>>) target(%arg8 : memref<128x32xf32, #tpu.memory_space<vmem>>) target_semaphore(%run_scoped3A : memref<!tpu.dma_semaphore, #tpu.memory_space<semaphore_mem>>)
      %dma_wait3A = arith.constant 0 : i32
      %dma_wait3A_54 = tpu.memref_slice %arg9[%add3A_34, %dma_wait3A] : memref<10240x32xf32, #tpu.memory_space<vmem_shared>> -> memref<128x32xf32, #tpu.memory_space<vmem_shared>>
      %dma_wait3A_55 = arith.constant 0 : i32
      %dma_wait3A_56 = tpu.memref_slice %arg9[%add3A_34, %dma_wait3A_55] : memref<10240x32xf32, #tpu.memory_space<vmem_shared>> -> memref<128x32xf32, #tpu.memory_space<vmem_shared>>
      tpu.wait_dma2 semaphore(%run_scoped3A : memref<!tpu.dma_semaphore, #tpu.memory_space<semaphore_mem>>) src(%dma_wait3A_56 : memref<128x32xf32, #tpu.memory_space<vmem_shared>>) dst(%arg8 : memref<128x32xf32, #tpu.memory_space<vmem>>)
      tpu.yield
    }) : () -> ()
    "tpu.region"() ({
      %run_scoped3A = tpu.sem_alloc : memref<!tpu.dma_semaphore, #tpu.memory_space<semaphore_mem>>
      %dma_start3A = arith.constant 0 : i32
      %dma_start3A_51 = tpu.memref_slice %arg5[%arg0, %add3A_34, %dma_start3A] : memref<2x10240x32xf32, #tpu.memory_space<hbm>> -> memref<1x128x32xf32, #tpu.memory_space<hbm>>
      %dma_start3A_52 = tpu.memref_squeeze %dma_start3A_51 : memref<1x128x32xf32, #tpu.memory_space<hbm>> -> memref<128x32xf32, #tpu.memory_space<hbm>>
      %dma_start3A_53 = arith.constant 0 : i32
      %dma_start3A_54 = tpu.memref_slice %arg5[%arg0, %add3A_34, %dma_start3A_53] : memref<2x10240x32xf32, #tpu.memory_space<hbm>> -> memref<1x128x32xf32, #tpu.memory_space<hbm>>
      %dma_start3A_55 = tpu.memref_squeeze %dma_start3A_54 : memref<1x128x32xf32, #tpu.memory_space<hbm>> -> memref<128x32xf32, #tpu.memory_space<hbm>>
      tpu.enqueue_dma source(%arg8 : memref<128x32xf32, #tpu.memory_space<vmem>>) target(%dma_start3A_55 : memref<128x32xf32, #tpu.memory_space<hbm>>) target_semaphore(%run_scoped3A : memref<!tpu.dma_semaphore, #tpu.memory_space<semaphore_mem>>)
      %dma_wait3A = arith.constant 0 : i32
      %dma_wait3A_56 = tpu.memref_slice %arg5[%arg0, %add3A_34, %dma_wait3A] : memref<2x10240x32xf32, #tpu.memory_space<hbm>> -> memref<1x128x32xf32, #tpu.memory_space<hbm>>
      %dma_wait3A_57 = tpu.memref_squeeze %dma_wait3A_56 : memref<1x128x32xf32, #tpu.memory_space<hbm>> -> memref<128x32xf32, #tpu.memory_space<hbm>>
      %dma_wait3A_58 = arith.constant 0 : i32
      %dma_wait3A_59 = tpu.memref_slice %arg5[%arg0, %add3A_34, %dma_wait3A_58] : memref<2x10240x32xf32, #tpu.memory_space<hbm>> -> memref<1x128x32xf32, #tpu.memory_space<hbm>>
      %dma_wait3A_60 = tpu.memref_squeeze %dma_wait3A_59 : memref<1x128x32xf32, #tpu.memory_space<hbm>> -> memref<128x32xf32, #tpu.memory_space<hbm>>
      tpu.wait_dma2 semaphore(%run_scoped3A : memref<!tpu.dma_semaphore, #tpu.memory_space<semaphore_mem>>) src(%arg8 : memref<128x32xf32, #tpu.memory_space<vmem>>) dst(%dma_wait3A_60 : memref<128x32xf32, #tpu.memory_space<hbm>>)
      tpu.yield
    }) : () -> ()
    %mul3A_35 = arith.constant 640 : i32
    %mul3A_36 = arith.muli %arg1, %mul3A_35 : i32
    %add3A_37 = arith.constant 128 : i32
    %add3A_38 = arith.addi %mul3A_36, %add3A_37 : i32
    "tpu.region"() ({
      %run_scoped3A = tpu.sem_alloc : memref<!tpu.dma_semaphore, #tpu.memory_space<semaphore_mem>>
      %dma_start3A = arith.constant 0 : i32
      %dma_start3A_51 = tpu.memref_slice %arg9[%add3A_38, %dma_start3A] : memref<10240x32xf32, #tpu.memory_space<vmem_shared>> -> memref<128x32xf32, #tpu.memory_space<vmem_shared>>
      %dma_start3A_52 = arith.constant 0 : i32
      %dma_start3A_53 = tpu.memref_slice %arg9[%add3A_38, %dma_start3A_52] : memref<10240x32xf32, #tpu.memory_space<vmem_shared>> -> memref<128x32xf32, #tpu.memory_space<vmem_shared>>
      tpu.enqueue_dma source(%dma_start3A_53 : memref<128x32xf32, #tpu.memory_space<vmem_shared>>) target(%arg8 : memref<128x32xf32, #tpu.memory_space<vmem>>) target_semaphore(%run_scoped3A : memref<!tpu.dma_semaphore, #tpu.memory_space<semaphore_mem>>)
      %dma_wait3A = arith.constant 0 : i32
      %dma_wait3A_54 = tpu.memref_slice %arg9[%add3A_38, %dma_wait3A] : memref<10240x32xf32, #tpu.memory_space<vmem_shared>> -> memref<128x32xf32, #tpu.memory_space<vmem_shared>>
      %dma_wait3A_55 = arith.constant 0 : i32
      %dma_wait3A_56 = tpu.memref_slice %arg9[%add3A_38, %dma_wait3A_55] : memref<10240x32xf32, #tpu.memory_space<vmem_shared>> -> memref<128x32xf32, #tpu.memory_space<vmem_shared>>
      tpu.wait_dma2 semaphore(%run_scoped3A : memref<!tpu.dma_semaphore, #tpu.memory_space<semaphore_mem>>) src(%dma_wait3A_56 : memref<128x32xf32, #tpu.memory_space<vmem_shared>>) dst(%arg8 : memref<128x32xf32, #tpu.memory_space<vmem>>)
      tpu.yield
    }) : () -> ()
    "tpu.region"() ({
      %run_scoped3A = tpu.sem_alloc : memref<!tpu.dma_semaphore, #tpu.memory_space<semaphore_mem>>
      %dma_start3A = arith.constant 0 : i32
      %dma_start3A_51 = tpu.memref_slice %arg5[%arg0, %add3A_38, %dma_start3A] : memref<2x10240x32xf32, #tpu.memory_space<hbm>> -> memref<1x128x32xf32, #tpu.memory_space<hbm>>
      %dma_start3A_52 = tpu.memref_squeeze %dma_start3A_51 : memref<1x128x32xf32, #tpu.memory_space<hbm>> -> memref<128x32xf32, #tpu.memory_space<hbm>>
      %dma_start3A_53 = arith.constant 0 : i32
      %dma_start3A_54 = tpu.memref_slice %arg5[%arg0, %add3A_38, %dma_start3A_53] : memref<2x10240x32xf32, #tpu.memory_space<hbm>> -> memref<1x128x32xf32, #tpu.memory_space<hbm>>
      %dma_start3A_55 = tpu.memref_squeeze %dma_start3A_54 : memref<1x128x32xf32, #tpu.memory_space<hbm>> -> memref<128x32xf32, #tpu.memory_space<hbm>>
      tpu.enqueue_dma source(%arg8 : memref<128x32xf32, #tpu.memory_space<vmem>>) target(%dma_start3A_55 : memref<128x32xf32, #tpu.memory_space<hbm>>) target_semaphore(%run_scoped3A : memref<!tpu.dma_semaphore, #tpu.memory_space<semaphore_mem>>)
      %dma_wait3A = arith.constant 0 : i32
      %dma_wait3A_56 = tpu.memref_slice %arg5[%arg0, %add3A_38, %dma_wait3A] : memref<2x10240x32xf32, #tpu.memory_space<hbm>> -> memref<1x128x32xf32, #tpu.memory_space<hbm>>
      %dma_wait3A_57 = tpu.memref_squeeze %dma_wait3A_56 : memref<1x128x32xf32, #tpu.memory_space<hbm>> -> memref<128x32xf32, #tpu.memory_space<hbm>>
      %dma_wait3A_58 = arith.constant 0 : i32
      %dma_wait3A_59 = tpu.memref_slice %arg5[%arg0, %add3A_38, %dma_wait3A_58] : memref<2x10240x32xf32, #tpu.memory_space<hbm>> -> memref<1x128x32xf32, #tpu.memory_space<hbm>>
      %dma_wait3A_60 = tpu.memref_squeeze %dma_wait3A_59 : memref<1x128x32xf32, #tpu.memory_space<hbm>> -> memref<128x32xf32, #tpu.memory_space<hbm>>
      tpu.wait_dma2 semaphore(%run_scoped3A : memref<!tpu.dma_semaphore, #tpu.memory_space<semaphore_mem>>) src(%arg8 : memref<128x32xf32, #tpu.memory_space<vmem>>) dst(%dma_wait3A_60 : memref<128x32xf32, #tpu.memory_space<hbm>>)
      tpu.yield
    }) : () -> ()
    %mul3A_39 = arith.constant 640 : i32
    %mul3A_40 = arith.muli %arg1, %mul3A_39 : i32
    %add3A_41 = arith.constant 256 : i32
    %add3A_42 = arith.addi %mul3A_40, %add3A_41 : i32
    "tpu.region"() ({
      %run_scoped3A = tpu.sem_alloc : memref<!tpu.dma_semaphore, #tpu.memory_space<semaphore_mem>>
      %dma_start3A = arith.constant 0 : i32
      %dma_start3A_51 = tpu.memref_slice %arg9[%add3A_42, %dma_start3A] : memref<10240x32xf32, #tpu.memory_space<vmem_shared>> -> memref<128x32xf32, #tpu.memory_space<vmem_shared>>
      %dma_start3A_52 = arith.constant 0 : i32
      %dma_start3A_53 = tpu.memref_slice %arg9[%add3A_42, %dma_start3A_52] : memref<10240x32xf32, #tpu.memory_space<vmem_shared>> -> memref<128x32xf32, #tpu.memory_space<vmem_shared>>
      tpu.enqueue_dma source(%dma_start3A_53 : memref<128x32xf32, #tpu.memory_space<vmem_shared>>) target(%arg8 : memref<128x32xf32, #tpu.memory_space<vmem>>) target_semaphore(%run_scoped3A : memref<!tpu.dma_semaphore, #tpu.memory_space<semaphore_mem>>)
      %dma_wait3A = arith.constant 0 : i32
      %dma_wait3A_54 = tpu.memref_slice %arg9[%add3A_42, %dma_wait3A] : memref<10240x32xf32, #tpu.memory_space<vmem_shared>> -> memref<128x32xf32, #tpu.memory_space<vmem_shared>>
      %dma_wait3A_55 = arith.constant 0 : i32
      %dma_wait3A_56 = tpu.memref_slice %arg9[%add3A_42, %dma_wait3A_55] : memref<10240x32xf32, #tpu.memory_space<vmem_shared>> -> memref<128x32xf32, #tpu.memory_space<vmem_shared>>
      tpu.wait_dma2 semaphore(%run_scoped3A : memref<!tpu.dma_semaphore, #tpu.memory_space<semaphore_mem>>) src(%dma_wait3A_56 : memref<128x32xf32, #tpu.memory_space<vmem_shared>>) dst(%arg8 : memref<128x32xf32, #tpu.memory_space<vmem>>)
      tpu.yield
    }) : () -> ()
    "tpu.region"() ({
      %run_scoped3A = tpu.sem_alloc : memref<!tpu.dma_semaphore, #tpu.memory_space<semaphore_mem>>
      %dma_start3A = arith.constant 0 : i32
      %dma_start3A_51 = tpu.memref_slice %arg5[%arg0, %add3A_42, %dma_start3A] : memref<2x10240x32xf32, #tpu.memory_space<hbm>> -> memref<1x128x32xf32, #tpu.memory_space<hbm>>
      %dma_start3A_52 = tpu.memref_squeeze %dma_start3A_51 : memref<1x128x32xf32, #tpu.memory_space<hbm>> -> memref<128x32xf32, #tpu.memory_space<hbm>>
      %dma_start3A_53 = arith.constant 0 : i32
      %dma_start3A_54 = tpu.memref_slice %arg5[%arg0, %add3A_42, %dma_start3A_53] : memref<2x10240x32xf32, #tpu.memory_space<hbm>> -> memref<1x128x32xf32, #tpu.memory_space<hbm>>
      %dma_start3A_55 = tpu.memref_squeeze %dma_start3A_54 : memref<1x128x32xf32, #tpu.memory_space<hbm>> -> memref<128x32xf32, #tpu.memory_space<hbm>>
      tpu.enqueue_dma source(%arg8 : memref<128x32xf32, #tpu.memory_space<vmem>>) target(%dma_start3A_55 : memref<128x32xf32, #tpu.memory_space<hbm>>) target_semaphore(%run_scoped3A : memref<!tpu.dma_semaphore, #tpu.memory_space<semaphore_mem>>)
      %dma_wait3A = arith.constant 0 : i32
      %dma_wait3A_56 = tpu.memref_slice %arg5[%arg0, %add3A_42, %dma_wait3A] : memref<2x10240x32xf32, #tpu.memory_space<hbm>> -> memref<1x128x32xf32, #tpu.memory_space<hbm>>
      %dma_wait3A_57 = tpu.memref_squeeze %dma_wait3A_56 : memref<1x128x32xf32, #tpu.memory_space<hbm>> -> memref<128x32xf32, #tpu.memory_space<hbm>>
      %dma_wait3A_58 = arith.constant 0 : i32
      %dma_wait3A_59 = tpu.memref_slice %arg5[%arg0, %add3A_42, %dma_wait3A_58] : memref<2x10240x32xf32, #tpu.memory_space<hbm>> -> memref<1x128x32xf32, #tpu.memory_space<hbm>>
      %dma_wait3A_60 = tpu.memref_squeeze %dma_wait3A_59 : memref<1x128x32xf32, #tpu.memory_space<hbm>> -> memref<128x32xf32, #tpu.memory_space<hbm>>
      tpu.wait_dma2 semaphore(%run_scoped3A : memref<!tpu.dma_semaphore, #tpu.memory_space<semaphore_mem>>) src(%arg8 : memref<128x32xf32, #tpu.memory_space<vmem>>) dst(%dma_wait3A_60 : memref<128x32xf32, #tpu.memory_space<hbm>>)
      tpu.yield
    }) : () -> ()
    %mul3A_43 = arith.constant 640 : i32
    %mul3A_44 = arith.muli %arg1, %mul3A_43 : i32
    %add3A_45 = arith.constant 384 : i32
    %add3A_46 = arith.addi %mul3A_44, %add3A_45 : i32
    "tpu.region"() ({
      %run_scoped3A = tpu.sem_alloc : memref<!tpu.dma_semaphore, #tpu.memory_space<semaphore_mem>>
      %dma_start3A = arith.constant 0 : i32
      %dma_start3A_51 = tpu.memref_slice %arg9[%add3A_46, %dma_start3A] : memref<10240x32xf32, #tpu.memory_space<vmem_shared>> -> memref<128x32xf32, #tpu.memory_space<vmem_shared>>
      %dma_start3A_52 = arith.constant 0 : i32
      %dma_start3A_53 = tpu.memref_slice %arg9[%add3A_46, %dma_start3A_52] : memref<10240x32xf32, #tpu.memory_space<vmem_shared>> -> memref<128x32xf32, #tpu.memory_space<vmem_shared>>
      tpu.enqueue_dma source(%dma_start3A_53 : memref<128x32xf32, #tpu.memory_space<vmem_shared>>) target(%arg8 : memref<128x32xf32, #tpu.memory_space<vmem>>) target_semaphore(%run_scoped3A : memref<!tpu.dma_semaphore, #tpu.memory_space<semaphore_mem>>)
      %dma_wait3A = arith.constant 0 : i32
      %dma_wait3A_54 = tpu.memref_slice %arg9[%add3A_46, %dma_wait3A] : memref<10240x32xf32, #tpu.memory_space<vmem_shared>> -> memref<128x32xf32, #tpu.memory_space<vmem_shared>>
      %dma_wait3A_55 = arith.constant 0 : i32
      %dma_wait3A_56 = tpu.memref_slice %arg9[%add3A_46, %dma_wait3A_55] : memref<10240x32xf32, #tpu.memory_space<vmem_shared>> -> memref<128x32xf32, #tpu.memory_space<vmem_shared>>
      tpu.wait_dma2 semaphore(%run_scoped3A : memref<!tpu.dma_semaphore, #tpu.memory_space<semaphore_mem>>) src(%dma_wait3A_56 : memref<128x32xf32, #tpu.memory_space<vmem_shared>>) dst(%arg8 : memref<128x32xf32, #tpu.memory_space<vmem>>)
      tpu.yield
    }) : () -> ()
    "tpu.region"() ({
      %run_scoped3A = tpu.sem_alloc : memref<!tpu.dma_semaphore, #tpu.memory_space<semaphore_mem>>
      %dma_start3A = arith.constant 0 : i32
      %dma_start3A_51 = tpu.memref_slice %arg5[%arg0, %add3A_46, %dma_start3A] : memref<2x10240x32xf32, #tpu.memory_space<hbm>> -> memref<1x128x32xf32, #tpu.memory_space<hbm>>
      %dma_start3A_52 = tpu.memref_squeeze %dma_start3A_51 : memref<1x128x32xf32, #tpu.memory_space<hbm>> -> memref<128x32xf32, #tpu.memory_space<hbm>>
      %dma_start3A_53 = arith.constant 0 : i32
      %dma_start3A_54 = tpu.memref_slice %arg5[%arg0, %add3A_46, %dma_start3A_53] : memref<2x10240x32xf32, #tpu.memory_space<hbm>> -> memref<1x128x32xf32, #tpu.memory_space<hbm>>
      %dma_start3A_55 = tpu.memref_squeeze %dma_start3A_54 : memref<1x128x32xf32, #tpu.memory_space<hbm>> -> memref<128x32xf32, #tpu.memory_space<hbm>>
      tpu.enqueue_dma source(%arg8 : memref<128x32xf32, #tpu.memory_space<vmem>>) target(%dma_start3A_55 : memref<128x32xf32, #tpu.memory_space<hbm>>) target_semaphore(%run_scoped3A : memref<!tpu.dma_semaphore, #tpu.memory_space<semaphore_mem>>)
      %dma_wait3A = arith.constant 0 : i32
      %dma_wait3A_56 = tpu.memref_slice %arg5[%arg0, %add3A_46, %dma_wait3A] : memref<2x10240x32xf32, #tpu.memory_space<hbm>> -> memref<1x128x32xf32, #tpu.memory_space<hbm>>
      %dma_wait3A_57 = tpu.memref_squeeze %dma_wait3A_56 : memref<1x128x32xf32, #tpu.memory_space<hbm>> -> memref<128x32xf32, #tpu.memory_space<hbm>>
      %dma_wait3A_58 = arith.constant 0 : i32
      %dma_wait3A_59 = tpu.memref_slice %arg5[%arg0, %add3A_46, %dma_wait3A_58] : memref<2x10240x32xf32, #tpu.memory_space<hbm>> -> memref<1x128x32xf32, #tpu.memory_space<hbm>>
      %dma_wait3A_60 = tpu.memref_squeeze %dma_wait3A_59 : memref<1x128x32xf32, #tpu.memory_space<hbm>> -> memref<128x32xf32, #tpu.memory_space<hbm>>
      tpu.wait_dma2 semaphore(%run_scoped3A : memref<!tpu.dma_semaphore, #tpu.memory_space<semaphore_mem>>) src(%arg8 : memref<128x32xf32, #tpu.memory_space<vmem>>) dst(%dma_wait3A_60 : memref<128x32xf32, #tpu.memory_space<hbm>>)
      tpu.yield
    }) : () -> ()
    %mul3A_47 = arith.constant 640 : i32
    %mul3A_48 = arith.muli %arg1, %mul3A_47 : i32
    %add3A_49 = arith.constant 512 : i32
    %add3A_50 = arith.addi %mul3A_48, %add3A_49 : i32
    "tpu.region"() ({
      %run_scoped3A = tpu.sem_alloc : memref<!tpu.dma_semaphore, #tpu.memory_space<semaphore_mem>>
      %dma_start3A = arith.constant 0 : i32
      %dma_start3A_51 = tpu.memref_slice %arg9[%add3A_50, %dma_start3A] : memref<10240x32xf32, #tpu.memory_space<vmem_shared>> -> memref<128x32xf32, #tpu.memory_space<vmem_shared>>
      %dma_start3A_52 = arith.constant 0 : i32
      %dma_start3A_53 = tpu.memref_slice %arg9[%add3A_50, %dma_start3A_52] : memref<10240x32xf32, #tpu.memory_space<vmem_shared>> -> memref<128x32xf32, #tpu.memory_space<vmem_shared>>
      tpu.enqueue_dma source(%dma_start3A_53 : memref<128x32xf32, #tpu.memory_space<vmem_shared>>) target(%arg8 : memref<128x32xf32, #tpu.memory_space<vmem>>) target_semaphore(%run_scoped3A : memref<!tpu.dma_semaphore, #tpu.memory_space<semaphore_mem>>)
      %dma_wait3A = arith.constant 0 : i32
      %dma_wait3A_54 = tpu.memref_slice %arg9[%add3A_50, %dma_wait3A] : memref<10240x32xf32, #tpu.memory_space<vmem_shared>> -> memref<128x32xf32, #tpu.memory_space<vmem_shared>>
      %dma_wait3A_55 = arith.constant 0 : i32
      %dma_wait3A_56 = tpu.memref_slice %arg9[%add3A_50, %dma_wait3A_55] : memref<10240x32xf32, #tpu.memory_space<vmem_shared>> -> memref<128x32xf32, #tpu.memory_space<vmem_shared>>
      tpu.wait_dma2 semaphore(%run_scoped3A : memref<!tpu.dma_semaphore, #tpu.memory_space<semaphore_mem>>) src(%dma_wait3A_56 : memref<128x32xf32, #tpu.memory_space<vmem_shared>>) dst(%arg8 : memref<128x32xf32, #tpu.memory_space<vmem>>)
      tpu.yield
    }) : () -> ()
    "tpu.region"() ({
      %run_scoped3A = tpu.sem_alloc : memref<!tpu.dma_semaphore, #tpu.memory_space<semaphore_mem>>
      %dma_start3A = arith.constant 0 : i32
      %dma_start3A_51 = tpu.memref_slice %arg5[%arg0, %add3A_50, %dma_start3A] : memref<2x10240x32xf32, #tpu.memory_space<hbm>> -> memref<1x128x32xf32, #tpu.memory_space<hbm>>
      %dma_start3A_52 = tpu.memref_squeeze %dma_start3A_51 : memref<1x128x32xf32, #tpu.memory_space<hbm>> -> memref<128x32xf32, #tpu.memory_space<hbm>>
      %dma_start3A_53 = arith.constant 0 : i32
      %dma_start3A_54 = tpu.memref_slice %arg5[%arg0, %add3A_50, %dma_start3A_53] : memref<2x10240x32xf32, #tpu.memory_space<hbm>> -> memref<1x128x32xf32, #tpu.memory_space<hbm>>
      %dma_start3A_55 = tpu.memref_squeeze %dma_start3A_54 : memref<1x128x32xf32, #tpu.memory_space<hbm>> -> memref<128x32xf32, #tpu.memory_space<hbm>>
      tpu.enqueue_dma source(%arg8 : memref<128x32xf32, #tpu.memory_space<vmem>>) target(%dma_start3A_55 : memref<128x32xf32, #tpu.memory_space<hbm>>) target_semaphore(%run_scoped3A : memref<!tpu.dma_semaphore, #tpu.memory_space<semaphore_mem>>)
      %dma_wait3A = arith.constant 0 : i32
      %dma_wait3A_56 = tpu.memref_slice %arg5[%arg0, %add3A_50, %dma_wait3A] : memref<2x10240x32xf32, #tpu.memory_space<hbm>> -> memref<1x128x32xf32, #tpu.memory_space<hbm>>
      %dma_wait3A_57 = tpu.memref_squeeze %dma_wait3A_56 : memref<1x128x32xf32, #tpu.memory_space<hbm>> -> memref<128x32xf32, #tpu.memory_space<hbm>>
      %dma_wait3A_58 = arith.constant 0 : i32
      %dma_wait3A_59 = tpu.memref_slice %arg5[%arg0, %add3A_50, %dma_wait3A_58] : memref<2x10240x32xf32, #tpu.memory_space<hbm>> -> memref<1x128x32xf32, #tpu.memory_space<hbm>>
      %dma_wait3A_60 = tpu.memref_squeeze %dma_wait3A_59 : memref<1x128x32xf32, #tpu.memory_space<hbm>> -> memref<128x32xf32, #tpu.memory_space<hbm>>
      tpu.wait_dma2 semaphore(%run_scoped3A : memref<!tpu.dma_semaphore, #tpu.memory_space<semaphore_mem>>) src(%arg8 : memref<128x32xf32, #tpu.memory_space<vmem>>) dst(%dma_wait3A_60 : memref<128x32xf32, #tpu.memory_space<hbm>>)
      tpu.yield
    }) : () -> ()
    return
  }
}

module attributes {stable_mosaic.version = 14 : i64} {
  func.func @_tc1_body(%arg0: memref<10000x128xf32, #tpu.memory_space<vmem>>, %arg1: memref<128x64xf32, #tpu.memory_space<vmem>>, %arg2: memref<2x10240x1xf32, #tpu.memory_space<vmem>>, %arg3: memref<10000x64xf32, #tpu.memory_space<vmem>>) attributes {dimension_semantics = [], scalar_prefetch = 0 : i64, scratch_operands = 0 : i64, tpu.core_type = #tpu.core_type<tc>} {
    %get3A = arith.constant 0 : index
    %get3A_0 = arith.constant 0 : index
    %get3A_1 = arith.constant 0 : index
    %get3A_2 = vector.load %arg2[%get3A, %get3A_0, %get3A_1] : memref<2x10240x1xf32, #tpu.memory_space<vmem>>, vector<1x10000x1xf32>
    %get3A_3 = vector.shape_cast %get3A_2 : vector<1x10000x1xf32> to vector<10000x1xf32>
    %get3A_4 = arith.constant 1 : index
    %get3A_5 = arith.constant 0 : index
    %get3A_6 = arith.constant 0 : index
    %get3A_7 = vector.load %arg2[%get3A_4, %get3A_5, %get3A_6] : memref<2x10240x1xf32, #tpu.memory_space<vmem>>, vector<1x10000x1xf32>
    %get3A_8 = vector.shape_cast %get3A_7 : vector<1x10000x1xf32> to vector<10000x1xf32>
    %add3A = arith.addf %get3A_3, %get3A_8 : vector<10000x1xf32>
    %add3A_9 = arith.constant 1.000000e+00 : f32
    %add3A_10 = vector.broadcast %add3A_9 : f32 to vector<10000x1xf32>
    %add3A_11 = arith.addf %add3A, %add3A_10 : vector<10000x1xf32>
    %rsqrt3A = math.rsqrt %add3A_11 : vector<10000x1xf32>
    %get3A_12 = arith.constant 0 : index
    %get3A_13 = arith.constant 0 : index
    %get3A_14 = vector.load %arg0[%get3A_12, %get3A_13] : memref<10000x128xf32, #tpu.memory_space<vmem>>, vector<10000x128xf32>
    %get3A_15 = arith.constant 0 : index
    %get3A_16 = arith.constant 0 : index
    %get3A_17 = vector.load %arg1[%get3A_15, %get3A_16] : memref<128x64xf32, #tpu.memory_space<vmem>>, vector<128x64xf32>
    %dot_general3A = arith.constant dense<0.000000e+00> : vector<10000x64xf32>
    %dot_general3A_18 = tpu.matmul %get3A_14, %get3A_17, %dot_general3A {dimension_numbers = #tpu.dot_dimension_numbers<[1], [0], [0], [1], [0, 0, 1, 1], [], []>, transpose_lhs_hint = false} : vector<10000x128xf32>, vector<128x64xf32>, vector<10000x64xf32> -> vector<10000x64xf32>
    %mul3A = vector.broadcast %rsqrt3A : vector<10000x1xf32> to vector<10000x64xf32>
    %mul3A_19 = arith.mulf %dot_general3A_18, %mul3A : vector<10000x64xf32>
    %swap3A = arith.constant 0 : index
    %swap3A_20 = arith.constant 0 : index
    %swap3A_21 = vector.load %arg3[%swap3A, %swap3A_20] : memref<10000x64xf32, #tpu.memory_space<vmem>>, vector<10000x64xf32>
    tpu.vector_store %arg3[%swap3A, %swap3A_20], %mul3A_19 {strides = array<i32>} : memref<10000x64xf32, #tpu.memory_space<vmem>>, vector<10000x64xf32>,
    return
  }
}

module attributes {stable_mosaic.version = 14 : i64} {
  func.func @_tc2_body(%arg0: memref<10000x64xf32, #tpu.memory_space<vmem>>, %arg1: memref<2x10240x64xf32, #tpu.memory_space<vmem>>, %arg2: memref<2x10240x1xf32, #tpu.memory_space<vmem>>, %arg3: memref<64xf32, #tpu.memory_space<vmem>>, %arg4: memref<64x32xf32, #tpu.memory_space<vmem>>, %arg5: memref<10000x32xf32, #tpu.memory_space<vmem>>) attributes {dimension_semantics = [], scalar_prefetch = 0 : i64, scratch_operands = 0 : i64, tpu.core_type = #tpu.core_type<tc>} {
    %get3A = arith.constant 0 : index
    %get3A_0 = arith.constant 0 : index
    %get3A_1 = arith.constant 0 : index
    %get3A_2 = vector.load %arg2[%get3A, %get3A_0, %get3A_1] : memref<2x10240x1xf32, #tpu.memory_space<vmem>>, vector<1x10000x1xf32>
    %get3A_3 = vector.shape_cast %get3A_2 : vector<1x10000x1xf32> to vector<10000x1xf32>
    %get3A_4 = arith.constant 1 : index
    %get3A_5 = arith.constant 0 : index
    %get3A_6 = arith.constant 0 : index
    %get3A_7 = vector.load %arg2[%get3A_4, %get3A_5, %get3A_6] : memref<2x10240x1xf32, #tpu.memory_space<vmem>>, vector<1x10000x1xf32>
    %get3A_8 = vector.shape_cast %get3A_7 : vector<1x10000x1xf32> to vector<10000x1xf32>
    %add3A = arith.addf %get3A_3, %get3A_8 : vector<10000x1xf32>
    %add3A_9 = arith.constant 1.000000e+00 : f32
    %add3A_10 = vector.broadcast %add3A_9 : f32 to vector<10000x1xf32>
    %add3A_11 = arith.addf %add3A, %add3A_10 : vector<10000x1xf32>
    %rsqrt3A = math.rsqrt %add3A_11 : vector<10000x1xf32>
    %get3A_12 = arith.constant 0 : index
    %get3A_13 = arith.constant 0 : index
    %get3A_14 = arith.constant 0 : index
    %get3A_15 = vector.load %arg1[%get3A_12, %get3A_13, %get3A_14] : memref<2x10240x64xf32, #tpu.memory_space<vmem>>, vector<1x10000x64xf32>
    %get3A_16 = vector.shape_cast %get3A_15 : vector<1x10000x64xf32> to vector<10000x64xf32>
    %get3A_17 = arith.constant 1 : index
    %get3A_18 = arith.constant 0 : index
    %get3A_19 = arith.constant 0 : index
    %get3A_20 = vector.load %arg1[%get3A_17, %get3A_18, %get3A_19] : memref<2x10240x64xf32, #tpu.memory_space<vmem>>, vector<1x10000x64xf32>
    %get3A_21 = vector.shape_cast %get3A_20 : vector<1x10000x64xf32> to vector<10000x64xf32>
    %add3A_22 = arith.addf %get3A_16, %get3A_21 : vector<10000x64xf32>
    %get3A_23 = arith.constant 0 : index
    %get3A_24 = arith.constant 0 : index
    %get3A_25 = vector.load %arg0[%get3A_23, %get3A_24] : memref<10000x64xf32, #tpu.memory_space<vmem>>, vector<10000x64xf32>
    %add3A_26 = arith.addf %get3A_25, %add3A_22 : vector<10000x64xf32>
    %mul3A = vector.broadcast %rsqrt3A : vector<10000x1xf32> to vector<10000x64xf32>
    %mul3A_27 = arith.mulf %mul3A, %add3A_26 : vector<10000x64xf32>
    %get3A_28 = arith.constant 0 : index
    %get3A_29 = vector.load %arg3[%get3A_28] : memref<64xf32, #tpu.memory_space<vmem>>, vector<64xf32>
    %reshape3A = vector.shape_cast %get3A_29 : vector<64xf32> to vector<1x64xf32>
    %add3A_30 = vector.broadcast %reshape3A : vector<1x64xf32> to vector<10000x64xf32>
    %add3A_31 = arith.addf %mul3A_27, %add3A_30 : vector<10000x64xf32>
    %gt3A = arith.constant 0.000000e+00 : f32
    %gt3A_32 = vector.broadcast %gt3A : f32 to vector<10000x64xf32>
    %gt3A_33 = arith.cmpf ogt, %add3A_31, %gt3A_32 : vector<10000x64xf32>
    %min3A = arith.constant 0.000000e+00 : f32
    %min3A_34 = vector.broadcast %min3A : f32 to vector<10000x64xf32>
    %min3A_35 = arith.minimumf %add3A_31, %min3A_34 : vector<10000x64xf32>
    %exp3A = math.exp %min3A_35 : vector<10000x64xf32>
    %sub3A = arith.constant 1.000000e+00 : f32
    %sub3A_36 = vector.broadcast %sub3A : f32 to vector<10000x64xf32>
    %sub3A_37 = arith.subf %exp3A, %sub3A_36 : vector<10000x64xf32>
    %select_n3A = arith.select %gt3A_33, %add3A_31, %sub3A_37 : vector<10000x64xi1>, vector<10000x64xf32>
    %get3A_38 = arith.constant 0 : index
    %get3A_39 = arith.constant 0 : index
    %get3A_40 = vector.load %arg4[%get3A_38, %get3A_39] : memref<64x32xf32, #tpu.memory_space<vmem>>, vector<64x32xf32>
    %dot_general3A = arith.constant dense<0.000000e+00> : vector<10000x32xf32>
    %dot_general3A_41 = tpu.matmul %select_n3A, %get3A_40, %dot_general3A {dimension_numbers = #tpu.dot_dimension_numbers<[1], [0], [0], [1], [0, 0, 1, 1], [], []>, transpose_lhs_hint = false} : vector<10000x64xf32>, vector<64x32xf32>, vector<10000x32xf32> -> vector<10000x32xf32>
    %mul3A_42 = vector.broadcast %rsqrt3A : vector<10000x1xf32> to vector<10000x32xf32>
    %mul3A_43 = arith.mulf %dot_general3A_41, %mul3A_42 : vector<10000x32xf32>
    %swap3A = arith.constant 0 : index
    %swap3A_44 = arith.constant 0 : index
    %swap3A_45 = vector.load %arg5[%swap3A, %swap3A_44] : memref<10000x32xf32, #tpu.memory_space<vmem>>, vector<10000x32xf32>
    tpu.vector_store %arg5[%swap3A, %swap3A_44], %mul3A_43 {strides = array<i32>} : memref<10000x32xf32, #tpu.memory_space<vmem>>, vector<10000x32xf32>,
    return
  }
}

module attributes {stable_mosaic.version = 14 : i64} {
  func.func @_tc3_body(%arg0: memref<10000x32xf32, #tpu.memory_space<vmem>>, %arg1: memref<2x10240x32xf32, #tpu.memory_space<vmem>>, %arg2: memref<2x10240x1xf32, #tpu.memory_space<vmem>>, %arg3: memref<32xf32, #tpu.memory_space<vmem>>, %arg4: memref<32x1xf32, #tpu.memory_space<vmem>>, %arg5: memref<1xf32, #tpu.memory_space<vmem>>, %arg6: memref<10000x1xf32, #tpu.memory_space<vmem>>) attributes {dimension_semantics = [], scalar_prefetch = 0 : i64, scratch_operands = 0 : i64, tpu.core_type = #tpu.core_type<tc>} {
    %get3A = arith.constant 0 : index
    %get3A_0 = arith.constant 0 : index
    %get3A_1 = arith.constant 0 : index
    %get3A_2 = vector.load %arg2[%get3A, %get3A_0, %get3A_1] : memref<2x10240x1xf32, #tpu.memory_space<vmem>>, vector<1x10000x1xf32>
    %get3A_3 = vector.shape_cast %get3A_2 : vector<1x10000x1xf32> to vector<10000x1xf32>
    %get3A_4 = arith.constant 1 : index
    %get3A_5 = arith.constant 0 : index
    %get3A_6 = arith.constant 0 : index
    %get3A_7 = vector.load %arg2[%get3A_4, %get3A_5, %get3A_6] : memref<2x10240x1xf32, #tpu.memory_space<vmem>>, vector<1x10000x1xf32>
    %get3A_8 = vector.shape_cast %get3A_7 : vector<1x10000x1xf32> to vector<10000x1xf32>
    %add3A = arith.addf %get3A_3, %get3A_8 : vector<10000x1xf32>
    %add3A_9 = arith.constant 1.000000e+00 : f32
    %add3A_10 = vector.broadcast %add3A_9 : f32 to vector<10000x1xf32>
    %add3A_11 = arith.addf %add3A, %add3A_10 : vector<10000x1xf32>
    %rsqrt3A = math.rsqrt %add3A_11 : vector<10000x1xf32>
    %get3A_12 = arith.constant 0 : index
    %get3A_13 = arith.constant 0 : index
    %get3A_14 = arith.constant 0 : index
    %get3A_15 = vector.load %arg1[%get3A_12, %get3A_13, %get3A_14] : memref<2x10240x32xf32, #tpu.memory_space<vmem>>, vector<1x10000x32xf32>
    %get3A_16 = vector.shape_cast %get3A_15 : vector<1x10000x32xf32> to vector<10000x32xf32>
    %get3A_17 = arith.constant 1 : index
    %get3A_18 = arith.constant 0 : index
    %get3A_19 = arith.constant 0 : index
    %get3A_20 = vector.load %arg1[%get3A_17, %get3A_18, %get3A_19] : memref<2x10240x32xf32, #tpu.memory_space<vmem>>, vector<1x10000x32xf32>
    %get3A_21 = vector.shape_cast %get3A_20 : vector<1x10000x32xf32> to vector<10000x32xf32>
    %add3A_22 = arith.addf %get3A_16, %get3A_21 : vector<10000x32xf32>
    %get3A_23 = arith.constant 0 : index
    %get3A_24 = arith.constant 0 : index
    %get3A_25 = vector.load %arg0[%get3A_23, %get3A_24] : memref<10000x32xf32, #tpu.memory_space<vmem>>, vector<10000x32xf32>
    %add3A_26 = arith.addf %get3A_25, %add3A_22 : vector<10000x32xf32>
    %mul3A = vector.broadcast %rsqrt3A : vector<10000x1xf32> to vector<10000x32xf32>
    %mul3A_27 = arith.mulf %mul3A, %add3A_26 : vector<10000x32xf32>
    %get3A_28 = arith.constant 0 : index
    %get3A_29 = vector.load %arg3[%get3A_28] : memref<32xf32, #tpu.memory_space<vmem>>, vector<32xf32>
    %reshape3A = vector.shape_cast %get3A_29 : vector<32xf32> to vector<1x32xf32>
    %add3A_30 = vector.broadcast %reshape3A : vector<1x32xf32> to vector<10000x32xf32>
    %add3A_31 = arith.addf %mul3A_27, %add3A_30 : vector<10000x32xf32>
    %gt3A = arith.constant 0.000000e+00 : f32
    %gt3A_32 = vector.broadcast %gt3A : f32 to vector<10000x32xf32>
    %gt3A_33 = arith.cmpf ogt, %add3A_31, %gt3A_32 : vector<10000x32xf32>
    %min3A = arith.constant 0.000000e+00 : f32
    %min3A_34 = vector.broadcast %min3A : f32 to vector<10000x32xf32>
    %min3A_35 = arith.minimumf %add3A_31, %min3A_34 : vector<10000x32xf32>
    %exp3A = math.exp %min3A_35 : vector<10000x32xf32>
    %sub3A = arith.constant 1.000000e+00 : f32
    %sub3A_36 = vector.broadcast %sub3A : f32 to vector<10000x32xf32>
    %sub3A_37 = arith.subf %exp3A, %sub3A_36 : vector<10000x32xf32>
    %select_n3A = arith.select %gt3A_33, %add3A_31, %sub3A_37 : vector<10000x32xi1>, vector<10000x32xf32>
    %get3A_38 = arith.constant 0 : index
    %get3A_39 = arith.constant 0 : index
    %get3A_40 = vector.load %arg4[%get3A_38, %get3A_39] : memref<32x1xf32, #tpu.memory_space<vmem>>, vector<32x1xf32>
    %dot_general3A = arith.constant dense<0.000000e+00> : vector<10000x1xf32>
    %dot_general3A_41 = tpu.matmul %select_n3A, %get3A_40, %dot_general3A {dimension_numbers = #tpu.dot_dimension_numbers<[1], [0], [0], [1], [0, 0, 1, 1], [], []>, transpose_lhs_hint = false} : vector<10000x32xf32>, vector<32x1xf32>, vector<10000x1xf32> -> vector<10000x1xf32>
    %get3A_42 = arith.constant 0 : index
    %get3A_43 = vector.load %arg5[%get3A_42] : memref<1xf32, #tpu.memory_space<vmem>>, vector<1xf32>
    %broadcast_in_dim3A = vector.shape_cast %get3A_43 : vector<1xf32> to vector<1x1xf32>
    %add3A_44 = vector.broadcast %broadcast_in_dim3A : vector<1x1xf32> to vector<10000x1xf32>
    %add3A_45 = arith.addf %dot_general3A_41, %add3A_44 : vector<10000x1xf32>
    %swap3A = arith.constant 0 : index
    %swap3A_46 = arith.constant 0 : index
    %swap3A_47 = vector.load %arg6[%swap3A, %swap3A_46] : memref<10000x1xf32, #tpu.memory_space<vmem>>, vector<10000x1xf32>
    tpu.vector_store %arg6[%swap3A, %swap3A_46], %add3A_45 {strides = array<i32>} : memref<10000x1xf32, #tpu.memory_space<vmem>>, vector<10000x1xf32>,
    return
  }
}

</mosaic_0001>

<sc_bundles>
// kernel: kernel.11.cloned.1.call-start
scs
__scs_entry_jumppad:
0x0: {  	(pc) =	sbr.rel $0x88, $3  }
0x1: {  	(tag) =	ssettag $0x0;
	lr =	simm.s32 $0x1  }
0x2: {  	[smem:$0x3F99] =	sst lr;
	_ =	strace $0xD0000000  }
0x3: {  	_ = 	snop  }
0x4: {  	_ = 	snop  }
0x5: {  	_ = 	snop  }
0x6: {  	_ = 	snop  }
0x7: {  	_ = 	snop  }
__scs_overlays_trampoline_lowered:
0x8: {  	[smem:$0x3FA8] =	sst s0  }
0x9: {  	[smem:$0x3FA9] =	sst s1  }
0xa: {  	[smem:$0x3FAA] =	sst s2  }
0xb: {  	[smem:$0x3FAB] =	sst s3  }
0xc: {  	[smem:$0x3FAC] =	sst s4  }
0xd: {  	[smem:$0x3FAD] =	sst s5  }
0xe: {  	[smem:$0x3FAE] =	sst s6  }
0xf: {  	[smem:$0x3FAF] =	sst s7  }
0x10: {  	[smem:$0x3FB0] =	sst s8  }
0x11: {  	[smem:$0x3FB1] =	sst s9;
	s0 =	simm.s32 @!p0 $0x0  }
0x12: {  	s1 =	sld [smem:$0x3F97];
	s0 =	simm.s32 @p0 $0x1  }
0x13: {  	[smem:$0x3FB2] =	sst s0;
	s0 =	simm.s32 @!p1 $0x0  }
0x14: {  	s2 =	sld [smem:$0x3F96];
	s0 =	simm.s32 @p1 $0x1  }
0x15: {  	[smem:$0x3FB3] =	sst s0;
	s0 =	simm.s32 @!p2 $0x0  }
0x16: {  	s3 =	sld [smem:$0x3FDB];
	s0 =	simm.s32 @p2 $0x1  }
0x17: {  	s4 =	simm.s32 $0x1BF5;
	[smem:$0x3FB5] =	sst s0  }
0x18: {  	s0 =	sld [smem:$0x3F98];
	_ =	swait.ge [sflag:s4], $0x0  }
0x19: {  	s7 =	sld [smem:$0x3F99]  }
0x1a: {  	s8 =	sadd.s32 $0xFFFFE003, lr  }
0x1b: {  	s9 =	sadd.s32 $0xFFFFFEF7, lr;
	s5 =	simm.s32 $0xFFFFFFFF;
	p2 =	slt.u32 s8, $0xFFFFF086  }
0x1c: {  	p1 =	slt.u32 s9, $0xF7A;
	s5 =	simm.s32 @!p2 $0x0  }
0x1d: {  	s5 =	simm.s32 @p1 $0x1;
	p0 =	seq.s32 s7, s2  }
0x1e: {  	s7 =	smul.u32 @!p0 $0xF7A, s2;
	p2 =	seq.s32 @!p0 s5, $0x0  }
0x1f: {  	s9 =	smul.u32 $0xF7A, s1;
	s8 =	simm.s32 @!p0 $0x1BF5;
	p2 =	por !p2, p0  }
0x20: {  	[sflag:s8] =	ssyncset.s32 @!p0 $0xFFFFF086;
	s6 =	sadd.s32 @!p0 s3, s7;
	s7 =	simm.s32 @!p0 $0x108  }
0x21: {  	s3 =	sadd.s32 s3, s9;
	s6 =	sadd.s32 @!p0 $0x88, s6;
	s7 =	simm.s32 @p2 $0x1082  }
0x22: {  	[simem:s7], [sflag:s8] =	dma.local @!p0 [hbm:s6], $0xF7A  }
0x23: {  	s9 =	sor.u32 $0xD0000000, s2;
	s6 =	simm.s32 $0x108;
	_ =	swait.ge @!p0 [sflag:s8], $0x0  }
0x24: {  	s3 =	sadd.s32 $0x88, s3;
	s6 =	simm.s32 @!p1 $0x1082;
	[sflag:s4] =	ssyncset.s32 $0xFFFFF086  }
0x25: {  	[simem:s6], [sflag:s4] =	dma.local [hbm:s3], $0xF7A  }
0x26: {  	[smem:$0x3F99] =	sst s1;
	(tag) =	ssettag s2;
	_ =	strace s9  }
0x27: {  	s1 =	sld [smem:$0x3FA9]  }
0x28: {  	s2 =	sld [smem:$0x3FAA]  }
0x29: {  	s4 =	sld [smem:$0x3FAC]  }
0x2a: {  	p0 =	seq.s32 s5, $0x0;
	s5 =	sld [smem:$0x3FAD]  }
0x2b: {  	s6 =	sld [smem:$0x3FAE]  }
0x2c: {  	s7 =	sld [smem:$0x3FAF]  }
0x2d: {  	s3 =	simm.s32 $0x108;
	s8 =	sld [smem:$0x3FB0]  }
0x2e: {  	s3 =	simm.s32 @!p0 $0x1082;
	s9 =	sld [smem:$0x3FB1]  }
0x2f: {  	lr =	sadd.s32 s0, s3;
	s0 =	sld [smem:$0x3FA8]  }
0x30: {  	s3 =	sld [smem:$0x3FAB]  }
0x31: {  	[smem:$0x3FB4] =	sst s10  }
0x32: {  	s10 =	sld [smem:$0x3FB2];
	_ =	sdelay $0x3  }
0x33: {  	p0 =	seq.s32 s10, $0x1;
	s10 =	sld [smem:$0x3FB4];
	_ =	sdelay $0x3  }
0x34: {  	[smem:$0x3FB4] =	sst s10  }
0x35: {  	s10 =	sld [smem:$0x3FB3];
	_ =	sdelay $0x3  }
0x36: {  	p1 =	seq.s32 s10, $0x1;
	s10 =	sld [smem:$0x3FB4];
	_ =	sdelay $0x3  }
0x37: {  	[smem:$0x3FB4] =	sst s10  }
0x38: {  	s10 =	sld [smem:$0x3FB5]  }
0x39: {  	_ = 	snop;
	(pc) =	sbr.ind lr, $3  }
0x3a: {  	_ = 	snop  }
0x3b: {  	_ = 	snop  }
0x3c: {  	p2 =	seq.s32 s10, $0x1;
	s10 =	sld [smem:$0x3FB4]  }
0x3d: {  	_ =	shalt  }
0x3e: {  	_ =	shalt  }
0x3f: {  	_ =	shalt  }
0x40: {  	_ =	shalt  }
0x41: {  	_ =	shalt  }
0x42: {  	_ =	shalt  }
0x43: {  	_ =	shalt  }
0x44: {  	_ =	shalt  }
0x45: {  	_ =	shalt  }
0x46: {  	_ =	shalt  }
0x47: {  	_ =	shalt  }
0x48: {  	_ =	shalt  }
0x49: {  	_ =	shalt  }
0x4a: {  	_ =	shalt  }
0x4b: {  	_ =	shalt  }
0x4c: {  	_ =	shalt  }
0x4d: {  	_ =	shalt  }
0x4e: {  	_ =	shalt  }
0x4f: {  	_ =	shalt  }
0x50: {  	_ =	shalt  }
0x51: {  	_ =	shalt  }
0x52: {  	_ =	shalt  }
0x53: {  	_ =	shalt  }
0x54: {  	_ =	shalt  }
0x55: {  	_ =	shalt  }
0x56: {  	_ =	shalt  }
0x57: {  	_ =	shalt  }
0x58: {  	_ =	shalt  }
0x59: {  	_ =	shalt  }
0x5a: {  	_ =	shalt  }
0x5b: {  	_ =	shalt  }
0x5c: {  	_ =	shalt  }
0x5d: {  	_ =	shalt  }
0x5e: {  	_ =	shalt  }
0x5f: {  	_ =	shalt  }
0x60: {  	_ =	shalt  }
0x61: {  	_ =	shalt  }
0x62: {  	_ =	shalt  }
0x63: {  	_ =	shalt  }
0x64: {  	_ =	shalt  }
0x65: {  	_ =	shalt  }
0x66: {  	_ =	shalt  }
0x67: {  	_ =	shalt  }
0x68: {  	_ =	shalt  }
0x69: {  	_ =	shalt  }
0x6a: {  	_ =	shalt  }
0x6b: {  	_ =	shalt  }
0x6c: {  	_ =	shalt  }
0x6d: {  	_ =	shalt  }
0x6e: {  	_ =	shalt  }
0x6f: {  	_ =	shalt  }
0x70: {  	_ =	shalt  }
0x71: {  	_ =	shalt  }
0x72: {  	_ =	shalt  }
0x73: {  	_ =	shalt  }
0x74: {  	_ =	shalt  }
0x75: {  	_ =	shalt  }
0x76: {  	_ =	shalt  }
0x77: {  	_ =	shalt  }
0x78: {  	_ =	shalt  }
0x79: {  	_ =	shalt  }
0x7a: {  	_ =	shalt  }
0x7b: {  	_ =	shalt  }
0x7c: {  	_ =	shalt  }
0x7d: {  	_ =	shalt  }
0x7e: {  	_ =	shalt  }
0x7f: {  	_ =	shalt  }
0x80: {  	_ =	shalt  }
0x81: {  	_ =	shalt  }
0x82: {  	_ =	shalt  }
0x83: {  	_ =	shalt  }
0x84: {  	_ =	shalt  }
0x85: {  	_ =	shalt  }
0x86: {  	_ =	shalt  }
0x87: {  	_ =	shalt  }
.Lfunc_end0:
.L_simem_size_0:
called_computation.1_lowered:
.L_overlay_start_0:
0x88: {  	s2 =	sld [smem:$0x3FD9]  }
0x89: {  	s3 =	sld [smem:$0x3FFE];
	_ =	sdelay $0x1  }
0x8a: {  	s1 =	srdreg.scid  }
0x8b: {  	s0 =	sand.u32 $0x1, s1  }
0x8c: {  	s16 =	sshll.u32 s0, $0xA;
	s2 =	sadd.s32 s3, s2  }
0x8d: {  	s2 =	sadd.s32 s2, s16  }
0x8e: {  	[smem:$0x3FC0] =	sst s2  }
0x8f: {  	_ = 	snop  }
0x90: {  	(tm) =	ssettm $0x1  }
0x91: {  	s17 =	sld [smem:$0x3FFB];
	_ =	sdelay $0x3  }
0x92: {  	_ =	strace s17  }
0x93: {  	s2 =	sld [smem:$0x3FFC];
	_ =	sdelay $0x3  }
0x94: {  	_ =	strace s2  }
0x95: {  	s2 =	sld [smem:$0x3FFD];
	_ =	sdelay $0x3  }
0x96: {  	_ =	strace s2  }
0x97: {  	_ =	strace $0x8FFFFFFF  }
0x98: {  	s18 =	sld [smem:$0x3FDB];
	_ =	sdelay $0x1  }
0x99: {  	s19 =	simm.s32 $_scs_section_size  }
0x9a: {  	s4 =	simm.s32 $_size__tile_overlayer_lowered;
	s5 =	simm.s32 $_tile_overlayer_lowered  }
0x9b: {  	s22 =	simm.s32 $0x1BFF;
	s21 =	sshll.u32 s5, $0x1;
	s2 =	sadd.s32 s19, s18  }
0x9c: {  	s6 =	simm.s32 $0x0;
	s20 =	sshll.u32 s4, $0x1;
	s4 =	sadd.s32 s21, s2  }
0x9d: {  	[timem:s6], [sflag:s22] =	dma.local [hbm:s4], s20  }
0x9e: {  	_ =	swait.ge [sflag:s22], s20  }
0x9f: {  	s3 =	ssub.s32 $0x0, s20;
	[sflag:s22] =	ssyncset.done $0x0  }
0xa0: {  	[sflag:s22] =	ssyncadd.s32 s3;
	_ =	sdelay $0x1  }
0xa1: {  	s23 =	simm.s32 $0x1B8B  }
0xa2: {  	_ =	swait.ge [sflag:s23], $0x1  }
0xa3: {  	[sflag:s23] =	ssyncset.done $0x0  }
0xa4: {  	s25 =	simm.s32 $0x1B8E;
	s24 =	sld [smem:$0x3FFE];
	[sflag:s23] =	ssyncadd.s32 $0xFFFFFFFF  }
0xa5: {  	s26 =	simm.s32 $execute0_lowered;
	[smem:$0x3FD2] =	sst s25  }
0xa6: {  	s4 =	sshll.u32 s26, $0x1;
	_ =	strace $0x80000049;
	[dreg:$0x1] =	wrdreg $0xFFFFFFFF  }
0xa7: {  	s28 =	simm.s32 $_size_execute0_lowered;
	s2 =	sadd.s32 s2, s4;
	[dreg:$0x0] =	wrdreg $0x0  }
0xa8: {  	s4 =	sshll.u32 s28, $0x1;
	[dreg:$0x2] =	wrdreg s2  }
0xa9: {  	[dreg:$0x3] =	wrdreg s4  }
0xaa: {  	[dreg:$0x4] =	wrdreg $0xC0  }
0xab: {  	_ =	task [dreg:s6], $0x5FFFF  }
0xac: {  	[dreg:$0x1] =	wrdreg $0xFFFFFFFF  }
0xad: {  	[dreg:$0x0] =	wrdreg $0x60  }
0xae: {  	[dreg:$0x2] =	wrdreg s24  }
0xaf: {  	[dreg:$0x3] =	wrdreg $0x21000  }
0xb0: {  	[dreg:$0x4] =	wrdreg $0x9  }
0xb1: {  	_ =	task.clear_ibuf [dreg:s6], $0x5FFFF;
	_ =	strace $0x90000049  }
0xb2: {  	s29 =	simm.s32 $0x9;
	_ =	strace $0x8000004B  }
0xb3: {  	_ =	swait.ge [sflag:s29], $0x1  }
0xb4: {  	[sflag:s29] =	ssyncadd.s32 $0xFFFFFFFF  }
0xb5: {  	_ =	strace $0x9000004B  }
0xb6: {  	_ =	sfence  }
0xb7: {  	s30 =	sld [smem:$0x0];
	_ =	sdelay $0x2  }
0xb8: {  	s31 =	sshll.u32 s1, $0xD;
	s1 =	sshrl.u32 s1, $0x2  }
0xb9: {  	s3 =	sand.u32 $0x4000, s31;
	s1 =	sadd.s32 s1, s30  }
0xba: {  	s0 =	sor.u32 s3, s0;
	s1 =	sshll.u32 s1, $0x11  }
0xbb: {  	s0 =	sor.u32 s1, s0  }
0xbc: {  	s0 =	sadd.s32 $0x8F2B, s0  }
0xbd: {  	[sflag:s0] =	ssyncadd.remote.s32 $0x1  }
0xbe: {  	_ =	sfence.sel $0xFFFF  }
0xbf: {  	[dreg:$0x0] =	wrdreg $0xFFFFFFFF;
	(pc) =	sbr.abs _section_cstart, $3  }
0xc0: {  	[dreg:$0x1] =	wrdreg $0xFFFFFFFF  }
0xc1: {  	_ =	task.clear_ibuf [dreg:s6], $0x2FFFF;
	_ =	strace $0x9FFFFFFF  }
0xc2: {  	(tm) =	ssettm $0x7FFFFFFF  }
0xc3: {  	_ =	shalt  }
tec
execute0_lowered:
.L_overlay_start_1:
0x0: {  	(tag) =	ssettag $0x1  }
0x1: {  	s5 =	rddreg [dreg:$0x0]  }
0x2: {  	s1 =	rddreg [dreg:$0x1]  }
0x3: {  	s2 =	srdreg.scid;
	s0 =	rddreg [dreg:$0x2];
	s3 =	simm.s32 $0x0  }
0x4: {  	s19 =	simm.s32 $0x2;
	s20 =	simm.s32 $0x80;
	s21 =	simm.s32 $0x1  }
0x5: {  	s22 =	simm.s32 $0x0;
	s6 =	sand.u32 $0x1, s2;
	s2 =	stileid.u32  }
0x6: {  	[smem:$0x7FF] =	sst s3;
	s4 =	sadd.s32 $0x8CE00, s5;
	s7 =	smul.u32 $0x27800, s6  }
0x7: {  	s14 =	sadd.s32 $0xA0800, s5;
	s8 =	smul.u32 $0x2780, s2;
	s26 =	ssub.s32 $0x2, s6  }
0x8: {  	_ =	strace $0x8000004A;
	s10 =	smul.u32 $0xA000, s2;
	s9 =	sshrl.u32 s26, $0x1  }
0x9: {  	s12 =	smul.u32 $0xA0000, s6;
	s7 =	sadd.s32 s8, s7;
	s15 =	ssub.s32 s26, s9  }
0xa: {  	s28 =	sadd.s32 $0x2000, s10;
	s13 =	sadd.s32 $0x4000, s10;
	s16 =	sadd.s32 $0x6000, s10  }
0xb: {  	s11 =	sadd.s32 s10, s12;
	s18 =	sadd.s32 $0x8000, s10;
	s7 =	sshrl.u32 s7, $0x3  }
0xc: {  	s6 =	sadd.s32 s28, s1;
	s8 =	sadd.s32 s16, s1;
	s29 =	sshrl.u32 s11, $0x3  }
0xd: {  	s30 =	sadd.s32 s12, s28;
	s9 =	sadd.s32 s18, s1;
	s16 =	sadd.s32 s12, s16  }
0xe: {  	s18 =	sadd.s32 s12, s18;
	s15 =	smax.u32 s15, $0x1;
	s17 =	sadd.s32 s7, s5  }
0xf: {  	s5 =	sadd.s32 s10, s1;
	s7 =	sadd.s32 s13, s1;
	s10 =	sadd.s32 s14, s29  }
0x10: {  	s11 =	sshrl.u32 s30, $0x3;
	s13 =	sadd.s32 s12, s13;
	s16 =	sshrl.u32 s16, $0x3  }
0x11: {  	s31 =	sshrl.u32 s18, $0x3;
	s18 =	simm.s32 $0x100;
	s13 =	sshrl.u32 s13, $0x3  }
0x12: {  	s11 =	sadd.s32 s14, s11;
	s12 =	sadd.s32 s14, s13;
	s13 =	sadd.s32 s14, s16  }
0x13: {  	v0 =	vimm.f32 $0.0e+00;
	s14 =	sadd.s32 s14, s31;
	s16 =	sadd.s32 $0x1600, s17;
	s17 =	sadd.s32 $0xBE00, s17  }
.LBB2_1:
0x14: {  	s24 =	simm.s32 $0x100;
	s23 =	simm.s32 $0x0  }
.LBB2_2:
0x15: {  	p0 =	sne.s32 s24, $0x7F00;
	[tilespmem:s23+$0x130] =	vst v0;
	s25 =	smov.u32 s24;
	s24 =	sadd.s32 $0x100, s24  }
.Ltmp0:
0x16: {  	[tilespmem:s23+$0x120] =	vst v0;
	(pc) =	sbr.rel @p0 .LBB2_2-.Ltmp0, $3  }
0x17: {  	[tilespmem:s23+$0x100] =	vst v0  }
0x18: {  	[tilespmem:s23+$0x110] =	vst v0;
	_ =	sdelay $0x1  }
0x19: {  	s23 =	sshra.s32 s25, $0x2  }
0x1a: {  	[tilespmem:s23+$0x130] =	vst v0  }
0x1b: {  	[tilespmem:s23+$0x120] =	vst v0  }
0x1c: {  	[tilespmem:s23+$0x100] =	vst v0  }
0x1d: {  	[tilespmem:s23+$0x110] =	vst v0  }
0x1e: {  	[spmem:s5] =	stream.linear.scatter [tilespmem:s18], [sflag:$0x2], $0x2000, $0x38;
	[tilespmem:$0xC100] =	vst v63  }
0x1f: {  	_ =	swait.ge [sflag:s19], $0x2000  }
0x20: {  	[sflag:s19] =	ssyncset.done $0x0  }
0x21: {  	[sflag:s19] =	ssyncadd.s32 $0xFFFFE000  }
0x22: {  	[spmem:s6] =	stream.linear.scatter [tilespmem:s18], [sflag:$0x2], $0x2000, $0x38;
	[tilespmem:$0xC100] =	vst v63  }
0x23: {  	_ =	swait.ge [sflag:s19], $0x2000  }
0x24: {  	[sflag:s19] =	ssyncset.done $0x0  }
0x25: {  	[sflag:s19] =	ssyncadd.s32 $0xFFFFE000  }
0x26: {  	[spmem:s7] =	stream.linear.scatter [tilespmem:s18], [sflag:$0x2], $0x2000, $0x38;
	[tilespmem:$0xC100] =	vst v63  }
0x27: {  	_ =	swait.ge [sflag:s19], $0x2000  }
0x28: {  	[sflag:s19] =	ssyncset.done $0x0  }
0x29: {  	[sflag:s19] =	ssyncadd.s32 $0xFFFFE000  }
0x2a: {  	[spmem:s8] =	stream.linear.scatter [tilespmem:s18], [sflag:$0x2], $0x2000, $0x38;
	[tilespmem:$0xC100] =	vst v63  }
0x2b: {  	_ =	swait.ge [sflag:s19], $0x2000  }
0x2c: {  	[sflag:s19] =	ssyncset.done $0x0  }
0x2d: {  	[sflag:s19] =	ssyncadd.s32 $0xFFFFE000  }
0x2e: {  	[spmem:s9] =	stream.linear.scatter [tilespmem:s18], [sflag:$0x2], $0x2000, $0x38;
	[tilespmem:$0xC100] =	vst v63  }
0x2f: {  	_ =	swait.ge [sflag:s19], $0x2000  }
0x30: {  	[sflag:s19] =	ssyncset.done $0x0  }
0x31: {  	[sflag:s19] =	ssyncadd.s32 $0xFFFFE000  }
0x32: {  	s30 =	sadd.s32 $0x0, s17;
	[bflag:$0x0] =	sbarrier.arrive $0xFFFF  }
0x33: {  	[tilespmem:s3], [sflag:$0x2] =	stream.linear.gather [hbm4b:s30+s3], $0x80, $0x38;
	[tilespmem:$0xC100] =	vst v63  }
0x34: {  	_ =	swait.ge [sflag:s19], $0x80  }
0x35: {  	[sflag:s19] =	ssyncset.done $0x0  }
0x36: {  	s31 =	sadd.s32 $0x0, s16;
	[sflag:s19] =	ssyncadd.s32 $0xFFFFFF80  }
0x37: {  	[tilespmem:s20], [sflag:$0x2] =	stream.linear.gather [hbm4b:s31+s3], $0x80, $0x38;
	[tilespmem:$0xC100] =	vst v63  }
0x38: {  	_ =	swait.ge [sflag:s19], $0x80  }
0x39: {  	[sflag:s19] =	ssyncset.done $0x0  }
0x3a: {  	[sflag:s19] =	ssyncadd.s32 $0xFFFFFF80  }
0x3b: {  	[tilespmem:s18], [sflag:$0x1] =	stream.indirect.gather [hbm4b:s4+s20], $0x40, s3, s20, $0xb8;
	[tilespmem:$0xC100] =	vst v63  }
0x3c: {  	_ =	swait.ge [sflag:s21], $0x2000  }
0x3d: {  	[sflag:s21] =	ssyncset.done $0x0  }
0x3e: {  	[sflag:s21] =	ssyncadd.s32 $0xFFFFE000  }
0x3f: {  	[spmem:s1] =	stream.indirect.scatter.add.f32 [tilespmem:s18], [sflag:$0x2], $0x40, s20, s20, $0xb8;
	[tilespmem:$0xC100] =	vst v63  }
0x40: {  	_ =	swait.ge [sflag:s19], $0x2000  }
0x41: {  	s23 =	simm.s32 $0x10;
	s24 =	simm.s32 $0x20;
	[sflag:s19] =	ssyncset.done $0x0  }
.LBB2_4:
0x42: {  	s25 =	sadd.s32 s23, s17  }
0x43: {  	[sflag:s19] =	ssyncadd.s32 $0xFFFFE000;
	s26 =	smov.u32 s24;
	s28 =	sadd.s32 $0x10, s24  }
0x44: {  	[tilespmem:s3], [sflag:$0x2] =	stream.linear.gather [hbm4b:s25+s3], $0x80, $0x38;
	[tilespmem:$0xC100] =	vst v63  }
0x45: {  	p0 =	sne.s32 s24, $0x4E0;
	_ =	swait.ge [sflag:s19], $0x80  }
0x46: {  	[sflag:s19] =	ssyncset.done $0x0  }
0x47: {  	s24 =	sadd.s32 s23, s16;
	s23 =	smov.u32 s26;
	[sflag:s19] =	ssyncadd.s32 $0xFFFFFF80  }
0x48: {  	[tilespmem:s20], [sflag:$0x2] =	stream.linear.gather [hbm4b:s24+s3], $0x80, $0x38;
	[tilespmem:$0xC100] =	vst v63  }
0x49: {  	_ =	swait.ge [sflag:s19], $0x80  }
0x4a: {  	[sflag:s19] =	ssyncset.done $0x0  }
0x4b: {  	[sflag:s19] =	ssyncadd.s32 $0xFFFFFF80  }
0x4c: {  	[tilespmem:s18], [sflag:$0x1] =	stream.indirect.gather [hbm4b:s4+s20], $0x40, s3, s20, $0xb8;
	[tilespmem:$0xC100] =	vst v63  }
0x4d: {  	_ =	swait.ge [sflag:s21], $0x2000  }
.Ltmp1:
0x4e: {  	[sflag:s21] =	ssyncset.done $0x0;
	(pc) =	sbr.rel @p0 .LBB2_4-.Ltmp1, $4  }
0x4f: {  	[sflag:s21] =	ssyncadd.s32 $0xFFFFE000  }
0x50: {  	[spmem:s1] =	stream.indirect.scatter.add.f32 [tilespmem:s18], [sflag:$0x2], $0x40, s20, s20, $0xb8;
	[tilespmem:$0xC100] =	vst v63  }
0x51: {  	_ =	swait.ge [sflag:s19], $0x2000  }
0x52: {  	s24 =	smov.u32 s28;
	[sflag:s19] =	ssyncset.done $0x0  }
0x53: {  	s24 =	sadd.s32 s23, s17;
	[sflag:s19] =	ssyncadd.s32 $0xFFFFE000  }
0x54: {  	[tilespmem:s3], [sflag:$0x2] =	stream.linear.gather [hbm4b:s24+s3], $0x80, $0x38;
	[tilespmem:$0xC100] =	vst v63  }
0x55: {  	_ =	swait.ge [sflag:s19], $0x80  }
0x56: {  	[sflag:s19] =	ssyncset.done $0x0  }
0x57: {  	s31 =	sadd.s32 s23, s16;
	[sflag:s19] =	ssyncadd.s32 $0xFFFFFF80  }
0x58: {  	[tilespmem:s20], [sflag:$0x2] =	stream.linear.gather [hbm4b:s31+s3], $0x80, $0x38;
	[tilespmem:$0xC100] =	vst v63  }
0x59: {  	_ =	swait.ge [sflag:s19], $0x80  }
0x5a: {  	[sflag:s19] =	ssyncset.done $0x0  }
0x5b: {  	[sflag:s19] =	ssyncadd.s32 $0xFFFFFF80  }
0x5c: {  	[tilespmem:s18], [sflag:$0x1] =	stream.indirect.gather [hbm4b:s4+s20], $0x40, s3, s20, $0xb8;
	[tilespmem:$0xC100] =	vst v63  }
0x5d: {  	_ =	swait.ge [sflag:s21], $0x2000  }
0x5e: {  	[sflag:s21] =	ssyncset.done $0x0  }
0x5f: {  	[sflag:s21] =	ssyncadd.s32 $0xFFFFE000  }
0x60: {  	[spmem:s1] =	stream.indirect.scatter.add.f32 [tilespmem:s18], [sflag:$0x2], $0x40, s20, s20, $0xb8;
	[tilespmem:$0xC100] =	vst v63  }
0x61: {  	_ =	swait.ge [sflag:s19], $0x2000  }
0x62: {  	[sflag:s19] =	ssyncset.done $0x0  }
0x63: {  	[sflag:s19] =	ssyncadd.s32 $0xFFFFE000  }
0x64: {  	[bflag:$0x0] =	sbarrier.arrive $0xFFFF  }
0x65: {  	[tilespmem:s18], [sflag:$0x2] =	stream.linear.gather [spmem:s5], $0x2000, $0x38;
	[tilespmem:$0xC100] =	vst v63  }
0x66: {  	_ =	swait.ge [sflag:s19], $0x2000  }
0x67: {  	[sflag:s19] =	ssyncset.done $0x0  }
0x68: {  	[sflag:s19] =	ssyncadd.s32 $0xFFFFE000  }
0x69: {  	[hbm4b:s10+s3] =	stream.linear.scatter [tilespmem:s18], [sflag:$0x2], $0x2000, $0x38;
	[tilespmem:$0xC100] =	vst v63  }
0x6a: {  	_ =	swait.ge [sflag:s19], $0x2000  }
0x6b: {  	[sflag:s19] =	ssyncset.done $0x0  }
0x6c: {  	[sflag:s19] =	ssyncadd.s32 $0xFFFFE000  }
0x6d: {  	[tilespmem:s18], [sflag:$0x2] =	stream.linear.gather [spmem:s6], $0x2000, $0x38;
	[tilespmem:$0xC100] =	vst v63  }
0x6e: {  	_ =	swait.ge [sflag:s19], $0x2000  }
0x6f: {  	[sflag:s19] =	ssyncset.done $0x0  }
0x70: {  	[sflag:s19] =	ssyncadd.s32 $0xFFFFE000  }
0x71: {  	[hbm4b:s11+s3] =	stream.linear.scatter [tilespmem:s18], [sflag:$0x2], $0x2000, $0x38;
	[tilespmem:$0xC100] =	vst v63  }
0x72: {  	_ =	swait.ge [sflag:s19], $0x2000  }
0x73: {  	[sflag:s19] =	ssyncset.done $0x0  }
0x74: {  	[sflag:s19] =	ssyncadd.s32 $0xFFFFE000  }
0x75: {  	[tilespmem:s18], [sflag:$0x2] =	stream.linear.gather [spmem:s7], $0x2000, $0x38;
	[tilespmem:$0xC100] =	vst v63  }
0x76: {  	_ =	swait.ge [sflag:s19], $0x2000  }
0x77: {  	[sflag:s19] =	ssyncset.done $0x0  }
0x78: {  	[sflag:s19] =	ssyncadd.s32 $0xFFFFE000  }
0x79: {  	[hbm4b:s12+s3] =	stream.linear.scatter [tilespmem:s18], [sflag:$0x2], $0x2000, $0x38;
	[tilespmem:$0xC100] =	vst v63  }
0x7a: {  	_ =	swait.ge [sflag:s19], $0x2000  }
0x7b: {  	[sflag:s19] =	ssyncset.done $0x0  }
0x7c: {  	[sflag:s19] =	ssyncadd.s32 $0xFFFFE000  }
0x7d: {  	[tilespmem:s18], [sflag:$0x2] =	stream.linear.gather [spmem:s8], $0x2000, $0x38;
	[tilespmem:$0xC100] =	vst v63  }
0x7e: {  	_ =	swait.ge [sflag:s19], $0x2000  }
0x7f: {  	[sflag:s19] =	ssyncset.done $0x0  }
0x80: {  	[sflag:s19] =	ssyncadd.s32 $0xFFFFE000  }
0x81: {  	[hbm4b:s13+s3] =	stream.linear.scatter [tilespmem:s18], [sflag:$0x2], $0x2000, $0x38;
	[tilespmem:$0xC100] =	vst v63  }
0x82: {  	_ =	swait.ge [sflag:s19], $0x2000  }
0x83: {  	[sflag:s19] =	ssyncset.done $0x0  }
0x84: {  	[sflag:s19] =	ssyncadd.s32 $0xFFFFE000  }
0x85: {  	[tilespmem:s18], [sflag:$0x2] =	stream.linear.gather [spmem:s9], $0x2000, $0x38;
	[tilespmem:$0xC100] =	vst v63  }
0x86: {  	s22 =	sadd.s32 $0x1, s22;
	_ =	swait.ge [sflag:s19], $0x2000  }
0x87: {  	p0 =	sne.s32 s22, s15;
	[sflag:s19] =	ssyncset.done $0x0  }
.Ltmp2:
0x88: {  	[sflag:s19] =	ssyncadd.s32 $0xFFFFE000;
	(pc) =	sbr.rel @p0 .LBB2_1-.Ltmp2, $4  }
0x89: {  	[hbm4b:s14+s3] =	stream.linear.scatter [tilespmem:s18], [sflag:$0x2], $0x2000, $0x38;
	[tilespmem:$0xC100] =	vst v63  }
0x8a: {  	_ =	swait.ge [sflag:s19], $0x2000  }
0x8b: {  	[sflag:s19] =	ssyncset.done $0x0  }
0x8c: {  	[sflag:s19] =	ssyncadd.s32 $0xFFFFE000  }
0x8d: {  	_ =	sfence.sel $0x180000  }
0x8e: {  	[bflag:$0x0] =	sbarrier.arrive $0xFFFF  }
0x8f: {  	p0 =	sne.s32 s2, $0x0;
	_ =	strace $0x9000004A  }
0x90: {  	s0 =	sadd.s32 @!p0 $0x100000, s0;
	[bflag:$0x2] =	sbarrier.arrive $0xFFFF  }
0x91: {  	[sflag:s0] =	ssyncadd.tile.s32 @!p0 $0x1;
	_ =	shalt  }
.Lfunc_end2:
_tile_overlayer_lowered:
.L_overlay_start_2:
0x92: {  	(tag) =	ssettag $0x2  }
0x93: {  	s0 =	rddreg [dreg:$0x0];
	s2 =	stileid.u32  }
0x94: {  	s1 =	rddreg [dreg:$0x1];
	p0 =	sne.s32 s2, $0x0  }
0x95: {  	s3 =	rddreg [dreg:$0x2];
	[bflag:$0x3] =	sbarrier.arrive $0xFFFF;
	s2 =	simm.s32 @!p0 $0x1C02  }
0x96: {  	[timem:s3], [sflag:s2] =	dma.local @!p0 [hbm:s0], s1  }
0x97: {  	s0 =	simm.s32 @!p0 $0x2  }
0x98: {  	_ =	swait.ge @!p0 [sflag:s0], s1  }
0x99: {  	s1 =	ssub.s32 @!p0 $0x0, s1;
	[sflag:s0] =	ssyncset.done @!p0 $0x0  }
0x9a: {  	[sflag:s0] =	ssyncadd.s32 @!p0 s1  }
0x9b: {  	[bflag:$0x3] =	sbarrier.arrive $0xFFFF  }
0x9c: {  	_ =	shalt  }

// kernel: kernel.14.cloned.1.call-start
scs
__scs_entry_jumppad:
0x0: {  	(pc) =	sbr.rel $0x88, $3  }
0x1: {  	(tag) =	ssettag $0x0;
	lr =	simm.s32 $0x1  }
0x2: {  	[smem:$0x3F99] =	sst lr;
	_ =	strace $0xD0000000  }
0x3: {  	_ = 	snop  }
0x4: {  	_ = 	snop  }
0x5: {  	_ = 	snop  }
0x6: {  	_ = 	snop  }
0x7: {  	_ = 	snop  }
__scs_overlays_trampoline_lowered:
0x8: {  	[smem:$0x3FA8] =	sst s0  }
0x9: {  	[smem:$0x3FA9] =	sst s1  }
0xa: {  	[smem:$0x3FAA] =	sst s2  }
0xb: {  	[smem:$0x3FAB] =	sst s3  }
0xc: {  	[smem:$0x3FAC] =	sst s4  }
0xd: {  	[smem:$0x3FAD] =	sst s5  }
0xe: {  	[smem:$0x3FAE] =	sst s6  }
0xf: {  	[smem:$0x3FAF] =	sst s7  }
0x10: {  	[smem:$0x3FB0] =	sst s8  }
0x11: {  	[smem:$0x3FB1] =	sst s9;
	s0 =	simm.s32 @!p0 $0x0  }
0x12: {  	s1 =	sld [smem:$0x3F97];
	s0 =	simm.s32 @p0 $0x1  }
0x13: {  	[smem:$0x3FB2] =	sst s0;
	s0 =	simm.s32 @!p1 $0x0  }
0x14: {  	s2 =	sld [smem:$0x3F96];
	s0 =	simm.s32 @p1 $0x1  }
0x15: {  	[smem:$0x3FB3] =	sst s0;
	s0 =	simm.s32 @!p2 $0x0  }
0x16: {  	s3 =	sld [smem:$0x3FDB];
	s0 =	simm.s32 @p2 $0x1  }
0x17: {  	s4 =	simm.s32 $0x1BF5;
	[smem:$0x3FB5] =	sst s0  }
0x18: {  	s0 =	sld [smem:$0x3F98];
	_ =	swait.ge [sflag:s4], $0x0  }
0x19: {  	s7 =	sld [smem:$0x3F99]  }
0x1a: {  	s8 =	sadd.s32 $0xFFFFE003, lr  }
0x1b: {  	s9 =	sadd.s32 $0xFFFFFEF7, lr;
	s5 =	simm.s32 $0xFFFFFFFF;
	p2 =	slt.u32 s8, $0xFFFFF086  }
0x1c: {  	p1 =	slt.u32 s9, $0xF7A;
	s5 =	simm.s32 @!p2 $0x0  }
0x1d: {  	s5 =	simm.s32 @p1 $0x1;
	p0 =	seq.s32 s7, s2  }
0x1e: {  	s7 =	smul.u32 @!p0 $0xF7A, s2;
	p2 =	seq.s32 @!p0 s5, $0x0  }
0x1f: {  	s9 =	smul.u32 $0xF7A, s1;
	s8 =	simm.s32 @!p0 $0x1BF5;
	p2 =	por !p2, p0  }
0x20: {  	[sflag:s8] =	ssyncset.s32 @!p0 $0xFFFFF086;
	s6 =	sadd.s32 @!p0 s3, s7;
	s7 =	simm.s32 @!p0 $0x108  }
0x21: {  	s3 =	sadd.s32 s3, s9;
	s6 =	sadd.s32 @!p0 $0x88, s6;
	s7 =	simm.s32 @p2 $0x1082  }
0x22: {  	[simem:s7], [sflag:s8] =	dma.local @!p0 [hbm:s6], $0xF7A  }
0x23: {  	s9 =	sor.u32 $0xD0000000, s2;
	s6 =	simm.s32 $0x108;
	_ =	swait.ge @!p0 [sflag:s8], $0x0  }
0x24: {  	s3 =	sadd.s32 $0x88, s3;
	s6 =	simm.s32 @!p1 $0x1082;
	[sflag:s4] =	ssyncset.s32 $0xFFFFF086  }
0x25: {  	[simem:s6], [sflag:s4] =	dma.local [hbm:s3], $0xF7A  }
0x26: {  	[smem:$0x3F99] =	sst s1;
	(tag) =	ssettag s2;
	_ =	strace s9  }
0x27: {  	s1 =	sld [smem:$0x3FA9]  }
0x28: {  	s2 =	sld [smem:$0x3FAA]  }
0x29: {  	s4 =	sld [smem:$0x3FAC]  }
0x2a: {  	p0 =	seq.s32 s5, $0x0;
	s5 =	sld [smem:$0x3FAD]  }
0x2b: {  	s6 =	sld [smem:$0x3FAE]  }
0x2c: {  	s7 =	sld [smem:$0x3FAF]  }
0x2d: {  	s3 =	simm.s32 $0x108;
	s8 =	sld [smem:$0x3FB0]  }
0x2e: {  	s3 =	simm.s32 @!p0 $0x1082;
	s9 =	sld [smem:$0x3FB1]  }
0x2f: {  	lr =	sadd.s32 s0, s3;
	s0 =	sld [smem:$0x3FA8]  }
0x30: {  	s3 =	sld [smem:$0x3FAB]  }
0x31: {  	[smem:$0x3FB4] =	sst s10  }
0x32: {  	s10 =	sld [smem:$0x3FB2];
	_ =	sdelay $0x3  }
0x33: {  	p0 =	seq.s32 s10, $0x1;
	s10 =	sld [smem:$0x3FB4];
	_ =	sdelay $0x3  }
0x34: {  	[smem:$0x3FB4] =	sst s10  }
0x35: {  	s10 =	sld [smem:$0x3FB3];
	_ =	sdelay $0x3  }
0x36: {  	p1 =	seq.s32 s10, $0x1;
	s10 =	sld [smem:$0x3FB4];
	_ =	sdelay $0x3  }
0x37: {  	[smem:$0x3FB4] =	sst s10  }
0x38: {  	s10 =	sld [smem:$0x3FB5]  }
0x39: {  	_ = 	snop;
	(pc) =	sbr.ind lr, $3  }
0x3a: {  	_ = 	snop  }
0x3b: {  	_ = 	snop  }
0x3c: {  	p2 =	seq.s32 s10, $0x1;
	s10 =	sld [smem:$0x3FB4]  }
0x3d: {  	_ =	shalt  }
0x3e: {  	_ =	shalt  }
0x3f: {  	_ =	shalt  }
0x40: {  	_ =	shalt  }
0x41: {  	_ =	shalt  }
0x42: {  	_ =	shalt  }
0x43: {  	_ =	shalt  }
0x44: {  	_ =	shalt  }
0x45: {  	_ =	shalt  }
0x46: {  	_ =	shalt  }
0x47: {  	_ =	shalt  }
0x48: {  	_ =	shalt  }
0x49: {  	_ =	shalt  }
0x4a: {  	_ =	shalt  }
0x4b: {  	_ =	shalt  }
0x4c: {  	_ =	shalt  }
0x4d: {  	_ =	shalt  }
0x4e: {  	_ =	shalt  }
0x4f: {  	_ =	shalt  }
0x50: {  	_ =	shalt  }
0x51: {  	_ =	shalt  }
0x52: {  	_ =	shalt  }
0x53: {  	_ =	shalt  }
0x54: {  	_ =	shalt  }
0x55: {  	_ =	shalt  }
0x56: {  	_ =	shalt  }
0x57: {  	_ =	shalt  }
0x58: {  	_ =	shalt  }
0x59: {  	_ =	shalt  }
0x5a: {  	_ =	shalt  }
0x5b: {  	_ =	shalt  }
0x5c: {  	_ =	shalt  }
0x5d: {  	_ =	shalt  }
0x5e: {  	_ =	shalt  }
0x5f: {  	_ =	shalt  }
0x60: {  	_ =	shalt  }
0x61: {  	_ =	shalt  }
0x62: {  	_ =	shalt  }
0x63: {  	_ =	shalt  }
0x64: {  	_ =	shalt  }
0x65: {  	_ =	shalt  }
0x66: {  	_ =	shalt  }
0x67: {  	_ =	shalt  }
0x68: {  	_ =	shalt  }
0x69: {  	_ =	shalt  }
0x6a: {  	_ =	shalt  }
0x6b: {  	_ =	shalt  }
0x6c: {  	_ =	shalt  }
0x6d: {  	_ =	shalt  }
0x6e: {  	_ =	shalt  }
0x6f: {  	_ =	shalt  }
0x70: {  	_ =	shalt  }
0x71: {  	_ =	shalt  }
0x72: {  	_ =	shalt  }
0x73: {  	_ =	shalt  }
0x74: {  	_ =	shalt  }
0x75: {  	_ =	shalt  }
0x76: {  	_ =	shalt  }
0x77: {  	_ =	shalt  }
0x78: {  	_ =	shalt  }
0x79: {  	_ =	shalt  }
0x7a: {  	_ =	shalt  }
0x7b: {  	_ =	shalt  }
0x7c: {  	_ =	shalt  }
0x7d: {  	_ =	shalt  }
0x7e: {  	_ =	shalt  }
0x7f: {  	_ =	shalt  }
0x80: {  	_ =	shalt  }
0x81: {  	_ =	shalt  }
0x82: {  	_ =	shalt  }
0x83: {  	_ =	shalt  }
0x84: {  	_ =	shalt  }
0x85: {  	_ =	shalt  }
0x86: {  	_ =	shalt  }
0x87: {  	_ =	shalt  }
.Lfunc_end0:
.L_simem_size_0:
called_computation.2_lowered:
.L_overlay_start_0:
0x88: {  	s2 =	sld [smem:$0x3FD9]  }
0x89: {  	s3 =	sld [smem:$0x3FFE];
	_ =	sdelay $0x1  }
0x8a: {  	s1 =	srdreg.scid  }
0x8b: {  	s0 =	sand.u32 $0x1, s1  }
0x8c: {  	s16 =	sshll.u32 s0, $0xA;
	s2 =	sadd.s32 s3, s2  }
0x8d: {  	s2 =	sadd.s32 s2, s16  }
0x8e: {  	[smem:$0x3FC0] =	sst s2  }
0x8f: {  	_ = 	snop  }
0x90: {  	(tm) =	ssettm $0x1  }
0x91: {  	s17 =	sld [smem:$0x3FFB];
	_ =	sdelay $0x3  }
0x92: {  	_ =	strace s17  }
0x93: {  	s2 =	sld [smem:$0x3FFC];
	_ =	sdelay $0x3  }
0x94: {  	_ =	strace s2  }
0x95: {  	s2 =	sld [smem:$0x3FFD];
	_ =	sdelay $0x3  }
0x96: {  	_ =	strace s2  }
0x97: {  	_ =	strace $0x8FFFFFFF  }
0x98: {  	s18 =	sld [smem:$0x3FDB];
	_ =	sdelay $0x1  }
0x99: {  	s19 =	simm.s32 $_scs_section_size  }
0x9a: {  	s4 =	simm.s32 $_size__tile_overlayer_lowered;
	s5 =	simm.s32 $_tile_overlayer_lowered  }
0x9b: {  	s22 =	simm.s32 $0x1BFF;
	s21 =	sshll.u32 s5, $0x1;
	s2 =	sadd.s32 s19, s18  }
0x9c: {  	s6 =	simm.s32 $0x0;
	s20 =	sshll.u32 s4, $0x1;
	s4 =	sadd.s32 s21, s2  }
0x9d: {  	[timem:s6], [sflag:s22] =	dma.local [hbm:s4], s20  }
0x9e: {  	_ =	swait.ge [sflag:s22], s20  }
0x9f: {  	s3 =	ssub.s32 $0x0, s20;
	[sflag:s22] =	ssyncset.done $0x0  }
0xa0: {  	[sflag:s22] =	ssyncadd.s32 s3;
	_ =	sdelay $0x1  }
0xa1: {  	s23 =	simm.s32 $0x1B8B  }
0xa2: {  	_ =	swait.ge [sflag:s23], $0x1  }
0xa3: {  	[sflag:s23] =	ssyncset.done $0x0  }
0xa4: {  	s25 =	simm.s32 $0x1B8E;
	s24 =	sld [smem:$0x3FFE];
	[sflag:s23] =	ssyncadd.s32 $0xFFFFFFFF  }
0xa5: {  	s26 =	simm.s32 $execute0_lowered;
	[smem:$0x3FD2] =	sst s25  }
0xa6: {  	s4 =	sshll.u32 s26, $0x1;
	_ =	strace $0x8000004C;
	[dreg:$0x1] =	wrdreg $0xFFFFFFFF  }
0xa7: {  	s28 =	simm.s32 $_size_execute0_lowered;
	s2 =	sadd.s32 s2, s4;
	[dreg:$0x0] =	wrdreg $0x0  }
0xa8: {  	s4 =	sshll.u32 s28, $0x1;
	[dreg:$0x2] =	wrdreg s2  }
0xa9: {  	[dreg:$0x3] =	wrdreg s4  }
0xaa: {  	[dreg:$0x4] =	wrdreg $0xC0  }
0xab: {  	_ =	task [dreg:s6], $0x5FFFF  }
0xac: {  	[dreg:$0x1] =	wrdreg $0xFFFFFFFF  }
0xad: {  	[dreg:$0x0] =	wrdreg $0x60  }
0xae: {  	[dreg:$0x2] =	wrdreg s24  }
0xaf: {  	[dreg:$0x3] =	wrdreg $0x11000  }
0xb0: {  	[dreg:$0x4] =	wrdreg $0x9  }
0xb1: {  	_ =	task.clear_ibuf [dreg:s6], $0x5FFFF;
	_ =	strace $0x9000004C  }
0xb2: {  	s29 =	simm.s32 $0x9;
	_ =	strace $0x8000004E  }
0xb3: {  	_ =	swait.ge [sflag:s29], $0x1  }
0xb4: {  	[sflag:s29] =	ssyncadd.s32 $0xFFFFFFFF  }
0xb5: {  	_ =	strace $0x9000004E  }
0xb6: {  	_ =	sfence  }
0xb7: {  	s30 =	sld [smem:$0x0];
	_ =	sdelay $0x2  }
0xb8: {  	s31 =	sshll.u32 s1, $0xD;
	s1 =	sshrl.u32 s1, $0x2  }
0xb9: {  	s3 =	sand.u32 $0x4000, s31;
	s1 =	sadd.s32 s1, s30  }
0xba: {  	s0 =	sor.u32 s3, s0;
	s1 =	sshll.u32 s1, $0x11  }
0xbb: {  	s0 =	sor.u32 s1, s0  }
0xbc: {  	s0 =	sadd.s32 $0x8F2B, s0  }
0xbd: {  	[sflag:s0] =	ssyncadd.remote.s32 $0x1  }
0xbe: {  	_ =	sfence.sel $0xFFFF  }
0xbf: {  	[dreg:$0x0] =	wrdreg $0xFFFFFFFF;
	(pc) =	sbr.abs _section_cstart, $3  }
0xc0: {  	[dreg:$0x1] =	wrdreg $0xFFFFFFFF  }
0xc1: {  	_ =	task.clear_ibuf [dreg:s6], $0x2FFFF;
	_ =	strace $0x9FFFFFFF  }
0xc2: {  	(tm) =	ssettm $0x7FFFFFFF  }
0xc3: {  	_ =	shalt  }
tec
execute0_lowered:
.L_overlay_start_1:
0x0: {  	(tag) =	ssettag $0x1  }
0x1: {  	s5 =	rddreg [dreg:$0x0]  }
0x2: {  	s1 =	rddreg [dreg:$0x1]  }
0x3: {  	s2 =	srdreg.scid;
	s0 =	rddreg [dreg:$0x2];
	s3 =	simm.s32 $0x0  }
0x4: {  	s19 =	simm.s32 $0x2;
	s20 =	simm.s32 $0x80;
	s21 =	simm.s32 $0x1  }
0x5: {  	s22 =	simm.s32 $0x0;
	s6 =	sand.u32 $0x1, s2;
	s2 =	stileid.u32  }
0x6: {  	[smem:$0x7FF] =	sst s3;
	s4 =	sadd.s32 $0x65C00, s5;
	s7 =	smul.u32 $0x27800, s6  }
0x7: {  	s14 =	sadd.s32 $0x6FA00, s5;
	s8 =	smul.u32 $0x2780, s2;
	s26 =	ssub.s32 $0x2, s6  }
0x8: {  	_ =	strace $0x8000004D;
	s10 =	smul.u32 $0x5000, s2;
	s9 =	sshrl.u32 s26, $0x1  }
0x9: {  	s12 =	smul.u32 $0x50000, s6;
	s7 =	sadd.s32 s8, s7;
	s15 =	ssub.s32 s26, s9  }
0xa: {  	s28 =	sadd.s32 $0x1000, s10;
	s13 =	sadd.s32 $0x2000, s10;
	s16 =	sadd.s32 $0x3000, s10  }
0xb: {  	s11 =	sadd.s32 s10, s12;
	s18 =	sadd.s32 $0x4000, s10;
	s7 =	sshrl.u32 s7, $0x3  }
0xc: {  	s6 =	sadd.s32 s28, s1;
	s8 =	sadd.s32 s16, s1;
	s29 =	sshrl.u32 s11, $0x3  }
0xd: {  	s30 =	sadd.s32 s12, s28;
	s9 =	sadd.s32 s18, s1;
	s16 =	sadd.s32 s12, s16  }
0xe: {  	s18 =	sadd.s32 s12, s18;
	s15 =	smax.u32 s15, $0x1;
	s17 =	sadd.s32 s7, s5  }
0xf: {  	s5 =	sadd.s32 s10, s1;
	s7 =	sadd.s32 s13, s1;
	s10 =	sadd.s32 s14, s29  }
0x10: {  	s11 =	sshrl.u32 s30, $0x3;
	s13 =	sadd.s32 s12, s13;
	s16 =	sshrl.u32 s16, $0x3  }
0x11: {  	s31 =	sshrl.u32 s18, $0x3;
	s18 =	simm.s32 $0x100;
	s13 =	sshrl.u32 s13, $0x3  }
0x12: {  	s11 =	sadd.s32 s14, s11;
	s12 =	sadd.s32 s14, s13;
	s13 =	sadd.s32 s14, s16  }
0x13: {  	v0 =	vimm.f32 $0.0e+00;
	s14 =	sadd.s32 s14, s31;
	s16 =	sadd.s32 $0x1600, s17;
	s17 =	sadd.s32 $0xBE00, s17  }
.LBB2_1:
0x14: {  	s23 =	simm.s32 $0x80;
	s24 =	simm.s32 $0x0  }
.LBB2_2:
0x15: {  	p0 =	sne.s32 s23, $0x3F80;
	[tilespmem:s24+$0x100] =	vst v0;
	s25 =	smov.u32 s23;
	s23 =	sadd.s32 $0x80, s23  }
.Ltmp0:
0x16: {  	[tilespmem:s24+$0x110] =	vst v0;
	(pc) =	sbr.rel @p0 .LBB2_2-.Ltmp0, $2  }
0x17: {  	_ =	sdelay $0x2  }
0x18: {  	s24 =	sshra.s32 s25, $0x2  }
0x19: {  	[tilespmem:s24+$0x100] =	vst v0  }
0x1a: {  	[tilespmem:s24+$0x110] =	vst v0  }
0x1b: {  	[spmem:s5] =	stream.linear.scatter [tilespmem:s18], [sflag:$0x2], $0x1000, $0x38;
	[tilespmem:$0x6100] =	vst v63  }
0x1c: {  	_ =	swait.ge [sflag:s19], $0x1000  }
0x1d: {  	[sflag:s19] =	ssyncset.done $0x0  }
0x1e: {  	[sflag:s19] =	ssyncadd.s32 $0xFFFFF000  }
0x1f: {  	[spmem:s6] =	stream.linear.scatter [tilespmem:s18], [sflag:$0x2], $0x1000, $0x38;
	[tilespmem:$0x6100] =	vst v63  }
0x20: {  	_ =	swait.ge [sflag:s19], $0x1000  }
0x21: {  	[sflag:s19] =	ssyncset.done $0x0  }
0x22: {  	[sflag:s19] =	ssyncadd.s32 $0xFFFFF000  }
0x23: {  	[spmem:s7] =	stream.linear.scatter [tilespmem:s18], [sflag:$0x2], $0x1000, $0x38;
	[tilespmem:$0x6100] =	vst v63  }
0x24: {  	_ =	swait.ge [sflag:s19], $0x1000  }
0x25: {  	[sflag:s19] =	ssyncset.done $0x0  }
0x26: {  	[sflag:s19] =	ssyncadd.s32 $0xFFFFF000  }
0x27: {  	[spmem:s8] =	stream.linear.scatter [tilespmem:s18], [sflag:$0x2], $0x1000, $0x38;
	[tilespmem:$0x6100] =	vst v63  }
0x28: {  	_ =	swait.ge [sflag:s19], $0x1000  }
0x29: {  	[sflag:s19] =	ssyncset.done $0x0  }
0x2a: {  	[sflag:s19] =	ssyncadd.s32 $0xFFFFF000  }
0x2b: {  	[spmem:s9] =	stream.linear.scatter [tilespmem:s18], [sflag:$0x2], $0x1000, $0x38;
	[tilespmem:$0x6100] =	vst v63  }
0x2c: {  	_ =	swait.ge [sflag:s19], $0x1000  }
0x2d: {  	[sflag:s19] =	ssyncset.done $0x0  }
0x2e: {  	[sflag:s19] =	ssyncadd.s32 $0xFFFFF000  }
0x2f: {  	s23 =	sadd.s32 $0x0, s17;
	[bflag:$0x0] =	sbarrier.arrive $0xFFFF  }
0x30: {  	[tilespmem:s3], [sflag:$0x2] =	stream.linear.gather [hbm4b:s23+s3], $0x80, $0x38;
	[tilespmem:$0x6100] =	vst v63  }
0x31: {  	_ =	swait.ge [sflag:s19], $0x80  }
0x32: {  	[sflag:s19] =	ssyncset.done $0x0  }
0x33: {  	s31 =	sadd.s32 $0x0, s16;
	[sflag:s19] =	ssyncadd.s32 $0xFFFFFF80  }
0x34: {  	[tilespmem:s20], [sflag:$0x2] =	stream.linear.gather [hbm4b:s31+s3], $0x80, $0x38;
	[tilespmem:$0x6100] =	vst v63  }
0x35: {  	_ =	swait.ge [sflag:s19], $0x80  }
0x36: {  	[sflag:s19] =	ssyncset.done $0x0  }
0x37: {  	[sflag:s19] =	ssyncadd.s32 $0xFFFFFF80  }
0x38: {  	[tilespmem:s18], [sflag:$0x1] =	stream.indirect.gather [hbm4b:s4+s20], $0x20, s3, s20, $0xb8;
	[tilespmem:$0x6100] =	vst v63  }
0x39: {  	_ =	swait.ge [sflag:s21], $0x1000  }
0x3a: {  	[sflag:s21] =	ssyncset.done $0x0  }
0x3b: {  	[sflag:s21] =	ssyncadd.s32 $0xFFFFF000  }
0x3c: {  	[spmem:s1] =	stream.indirect.scatter.add.f32 [tilespmem:s18], [sflag:$0x2], $0x20, s20, s20, $0xb8;
	[tilespmem:$0x6100] =	vst v63  }
0x3d: {  	_ =	swait.ge [sflag:s19], $0x1000  }
0x3e: {  	s24 =	simm.s32 $0x20;
	s23 =	simm.s32 $0x10;
	[sflag:s19] =	ssyncset.done $0x0  }
.LBB2_4:
0x3f: {  	s25 =	sadd.s32 s23, s17  }
0x40: {  	[sflag:s19] =	ssyncadd.s32 $0xFFFFF000;
	s26 =	smov.u32 s24;
	s28 =	sadd.s32 $0x10, s24  }
0x41: {  	[tilespmem:s3], [sflag:$0x2] =	stream.linear.gather [hbm4b:s25+s3], $0x80, $0x38;
	[tilespmem:$0x6100] =	vst v63  }
0x42: {  	p0 =	sne.s32 s24, $0x4E0;
	_ =	swait.ge [sflag:s19], $0x80  }
0x43: {  	[sflag:s19] =	ssyncset.done $0x0  }
0x44: {  	s24 =	sadd.s32 s23, s16;
	s23 =	smov.u32 s26;
	[sflag:s19] =	ssyncadd.s32 $0xFFFFFF80  }
0x45: {  	[tilespmem:s20], [sflag:$0x2] =	stream.linear.gather [hbm4b:s24+s3], $0x80, $0x38;
	[tilespmem:$0x6100] =	vst v63  }
0x46: {  	_ =	swait.ge [sflag:s19], $0x80  }
0x47: {  	[sflag:s19] =	ssyncset.done $0x0  }
0x48: {  	[sflag:s19] =	ssyncadd.s32 $0xFFFFFF80  }
0x49: {  	[tilespmem:s18], [sflag:$0x1] =	stream.indirect.gather [hbm4b:s4+s20], $0x20, s3, s20, $0xb8;
	[tilespmem:$0x6100] =	vst v63  }
0x4a: {  	_ =	swait.ge [sflag:s21], $0x1000  }
.Ltmp1:
0x4b: {  	[sflag:s21] =	ssyncset.done $0x0;
	(pc) =	sbr.rel @p0 .LBB2_4-.Ltmp1, $4  }
0x4c: {  	[sflag:s21] =	ssyncadd.s32 $0xFFFFF000  }
0x4d: {  	[spmem:s1] =	stream.indirect.scatter.add.f32 [tilespmem:s18], [sflag:$0x2], $0x20, s20, s20, $0xb8;
	[tilespmem:$0x6100] =	vst v63  }
0x4e: {  	_ =	swait.ge [sflag:s19], $0x1000  }
0x4f: {  	s24 =	smov.u32 s28;
	[sflag:s19] =	ssyncset.done $0x0  }
0x50: {  	s24 =	sadd.s32 s23, s17;
	[sflag:s19] =	ssyncadd.s32 $0xFFFFF000  }
0x51: {  	[tilespmem:s3], [sflag:$0x2] =	stream.linear.gather [hbm4b:s24+s3], $0x80, $0x38;
	[tilespmem:$0x6100] =	vst v63  }
0x52: {  	_ =	swait.ge [sflag:s19], $0x80  }
0x53: {  	[sflag:s19] =	ssyncset.done $0x0  }
0x54: {  	s31 =	sadd.s32 s23, s16;
	[sflag:s19] =	ssyncadd.s32 $0xFFFFFF80  }
0x55: {  	[tilespmem:s20], [sflag:$0x2] =	stream.linear.gather [hbm4b:s31+s3], $0x80, $0x38;
	[tilespmem:$0x6100] =	vst v63  }
0x56: {  	_ =	swait.ge [sflag:s19], $0x80  }
0x57: {  	[sflag:s19] =	ssyncset.done $0x0  }
0x58: {  	[sflag:s19] =	ssyncadd.s32 $0xFFFFFF80  }
0x59: {  	[tilespmem:s18], [sflag:$0x1] =	stream.indirect.gather [hbm4b:s4+s20], $0x20, s3, s20, $0xb8;
	[tilespmem:$0x6100] =	vst v63  }
0x5a: {  	_ =	swait.ge [sflag:s21], $0x1000  }
0x5b: {  	[sflag:s21] =	ssyncset.done $0x0  }
0x5c: {  	[sflag:s21] =	ssyncadd.s32 $0xFFFFF000  }
0x5d: {  	[spmem:s1] =	stream.indirect.scatter.add.f32 [tilespmem:s18], [sflag:$0x2], $0x20, s20, s20, $0xb8;
	[tilespmem:$0x6100] =	vst v63  }
0x5e: {  	_ =	swait.ge [sflag:s19], $0x1000  }
0x5f: {  	[sflag:s19] =	ssyncset.done $0x0  }
0x60: {  	[sflag:s19] =	ssyncadd.s32 $0xFFFFF000  }
0x61: {  	[bflag:$0x0] =	sbarrier.arrive $0xFFFF  }
0x62: {  	[tilespmem:s18], [sflag:$0x2] =	stream.linear.gather [spmem:s5], $0x1000, $0x38;
	[tilespmem:$0x6100] =	vst v63  }
0x63: {  	_ =	swait.ge [sflag:s19], $0x1000  }
0x64: {  	[sflag:s19] =	ssyncset.done $0x0  }
0x65: {  	[sflag:s19] =	ssyncadd.s32 $0xFFFFF000  }
0x66: {  	[hbm4b:s10+s3] =	stream.linear.scatter [tilespmem:s18], [sflag:$0x2], $0x1000, $0x38;
	[tilespmem:$0x6100] =	vst v63  }
0x67: {  	_ =	swait.ge [sflag:s19], $0x1000  }
0x68: {  	[sflag:s19] =	ssyncset.done $0x0  }
0x69: {  	[sflag:s19] =	ssyncadd.s32 $0xFFFFF000  }
0x6a: {  	[tilespmem:s18], [sflag:$0x2] =	stream.linear.gather [spmem:s6], $0x1000, $0x38;
	[tilespmem:$0x6100] =	vst v63  }
0x6b: {  	_ =	swait.ge [sflag:s19], $0x1000  }
0x6c: {  	[sflag:s19] =	ssyncset.done $0x0  }
0x6d: {  	[sflag:s19] =	ssyncadd.s32 $0xFFFFF000  }
0x6e: {  	[hbm4b:s11+s3] =	stream.linear.scatter [tilespmem:s18], [sflag:$0x2], $0x1000, $0x38;
	[tilespmem:$0x6100] =	vst v63  }
0x6f: {  	_ =	swait.ge [sflag:s19], $0x1000  }
0x70: {  	[sflag:s19] =	ssyncset.done $0x0  }
0x71: {  	[sflag:s19] =	ssyncadd.s32 $0xFFFFF000  }
0x72: {  	[tilespmem:s18], [sflag:$0x2] =	stream.linear.gather [spmem:s7], $0x1000, $0x38;
	[tilespmem:$0x6100] =	vst v63  }
0x73: {  	_ =	swait.ge [sflag:s19], $0x1000  }
0x74: {  	[sflag:s19] =	ssyncset.done $0x0  }
0x75: {  	[sflag:s19] =	ssyncadd.s32 $0xFFFFF000  }
0x76: {  	[hbm4b:s12+s3] =	stream.linear.scatter [tilespmem:s18], [sflag:$0x2], $0x1000, $0x38;
	[tilespmem:$0x6100] =	vst v63  }
0x77: {  	_ =	swait.ge [sflag:s19], $0x1000  }
0x78: {  	[sflag:s19] =	ssyncset.done $0x0  }
0x79: {  	[sflag:s19] =	ssyncadd.s32 $0xFFFFF000  }
0x7a: {  	[tilespmem:s18], [sflag:$0x2] =	stream.linear.gather [spmem:s8], $0x1000, $0x38;
	[tilespmem:$0x6100] =	vst v63  }
0x7b: {  	_ =	swait.ge [sflag:s19], $0x1000  }
0x7c: {  	[sflag:s19] =	ssyncset.done $0x0  }
0x7d: {  	[sflag:s19] =	ssyncadd.s32 $0xFFFFF000  }
0x7e: {  	[hbm4b:s13+s3] =	stream.linear.scatter [tilespmem:s18], [sflag:$0x2], $0x1000, $0x38;
	[tilespmem:$0x6100] =	vst v63  }
0x7f: {  	_ =	swait.ge [sflag:s19], $0x1000  }
0x80: {  	[sflag:s19] =	ssyncset.done $0x0  }
0x81: {  	[sflag:s19] =	ssyncadd.s32 $0xFFFFF000  }
0x82: {  	[tilespmem:s18], [sflag:$0x2] =	stream.linear.gather [spmem:s9], $0x1000, $0x38;
	[tilespmem:$0x6100] =	vst v63  }
0x83: {  	s22 =	sadd.s32 $0x1, s22;
	_ =	swait.ge [sflag:s19], $0x1000  }
0x84: {  	p0 =	sne.s32 s22, s15;
	[sflag:s19] =	ssyncset.done $0x0  }
.Ltmp2:
0x85: {  	[sflag:s19] =	ssyncadd.s32 $0xFFFFF000;
	(pc) =	sbr.rel @p0 .LBB2_1-.Ltmp2, $4  }
0x86: {  	[hbm4b:s14+s3] =	stream.linear.scatter [tilespmem:s18], [sflag:$0x2], $0x1000, $0x38;
	[tilespmem:$0x6100] =	vst v63  }
0x87: {  	_ =	swait.ge [sflag:s19], $0x1000  }
0x88: {  	[sflag:s19] =	ssyncset.done $0x0  }
0x89: {  	[sflag:s19] =	ssyncadd.s32 $0xFFFFF000  }
0x8a: {  	_ =	sfence.sel $0x180000  }
0x8b: {  	[bflag:$0x0] =	sbarrier.arrive $0xFFFF  }
0x8c: {  	p0 =	sne.s32 s2, $0x0;
	_ =	strace $0x9000004D  }
0x8d: {  	s0 =	sadd.s32 @!p0 $0x100000, s0;
	[bflag:$0x2] =	sbarrier.arrive $0xFFFF  }
0x8e: {  	[sflag:s0] =	ssyncadd.tile.s32 @!p0 $0x1;
	_ =	shalt  }
.Lfunc_end2:
_tile_overlayer_lowered:
.L_overlay_start_2:
0x8f: {  	(tag) =	ssettag $0x2  }
0x90: {  	s0 =	rddreg [dreg:$0x0];
	s2 =	stileid.u32  }
0x91: {  	s1 =	rddreg [dreg:$0x1];
	p0 =	sne.s32 s2, $0x0  }
0x92: {  	s3 =	rddreg [dreg:$0x2];
	[bflag:$0x3] =	sbarrier.arrive $0xFFFF;
	s2 =	simm.s32 @!p0 $0x1C02  }
0x93: {  	[timem:s3], [sflag:s2] =	dma.local @!p0 [hbm:s0], s1  }
0x94: {  	s0 =	simm.s32 @!p0 $0x2  }
0x95: {  	_ =	swait.ge @!p0 [sflag:s0], s1  }
0x96: {  	s1 =	ssub.s32 @!p0 $0x0, s1;
	[sflag:s0] =	ssyncset.done @!p0 $0x0  }
0x97: {  	[sflag:s0] =	ssyncadd.s32 @!p0 s1  }
0x98: {  	[bflag:$0x3] =	sbarrier.arrive $0xFFFF  }
0x99: {  	_ =	shalt  }

// kernel: kernel.8.cloned.1.call-start
scs
__scs_entry_jumppad:
0x0: {  	(pc) =	sbr.rel $0x88, $3  }
0x1: {  	(tag) =	ssettag $0x0;
	lr =	simm.s32 $0x1  }
0x2: {  	[smem:$0x3F99] =	sst lr;
	_ =	strace $0xD0000000  }
0x3: {  	_ = 	snop  }
0x4: {  	_ = 	snop  }
0x5: {  	_ = 	snop  }
0x6: {  	_ = 	snop  }
0x7: {  	_ = 	snop  }
__scs_overlays_trampoline_lowered:
0x8: {  	[smem:$0x3FA8] =	sst s0  }
0x9: {  	[smem:$0x3FA9] =	sst s1  }
0xa: {  	[smem:$0x3FAA] =	sst s2  }
0xb: {  	[smem:$0x3FAB] =	sst s3  }
0xc: {  	[smem:$0x3FAC] =	sst s4  }
0xd: {  	[smem:$0x3FAD] =	sst s5  }
0xe: {  	[smem:$0x3FAE] =	sst s6  }
0xf: {  	[smem:$0x3FAF] =	sst s7  }
0x10: {  	[smem:$0x3FB0] =	sst s8  }
0x11: {  	[smem:$0x3FB1] =	sst s9;
	s0 =	simm.s32 @!p0 $0x0  }
0x12: {  	s1 =	sld [smem:$0x3F97];
	s0 =	simm.s32 @p0 $0x1  }
0x13: {  	[smem:$0x3FB2] =	sst s0;
	s0 =	simm.s32 @!p1 $0x0  }
0x14: {  	s2 =	sld [smem:$0x3F96];
	s0 =	simm.s32 @p1 $0x1  }
0x15: {  	[smem:$0x3FB3] =	sst s0;
	s0 =	simm.s32 @!p2 $0x0  }
0x16: {  	s3 =	sld [smem:$0x3FDB];
	s0 =	simm.s32 @p2 $0x1  }
0x17: {  	s4 =	simm.s32 $0x1BF5;
	[smem:$0x3FB5] =	sst s0  }
0x18: {  	s0 =	sld [smem:$0x3F98];
	_ =	swait.ge [sflag:s4], $0x0  }
0x19: {  	s7 =	sld [smem:$0x3F99]  }
0x1a: {  	s8 =	sadd.s32 $0xFFFFE003, lr  }
0x1b: {  	s9 =	sadd.s32 $0xFFFFFEF7, lr;
	s5 =	simm.s32 $0xFFFFFFFF;
	p2 =	slt.u32 s8, $0xFFFFF086  }
0x1c: {  	p1 =	slt.u32 s9, $0xF7A;
	s5 =	simm.s32 @!p2 $0x0  }
0x1d: {  	s5 =	simm.s32 @p1 $0x1;
	p0 =	seq.s32 s7, s2  }
0x1e: {  	s7 =	smul.u32 @!p0 $0xF7A, s2;
	p2 =	seq.s32 @!p0 s5, $0x0  }
0x1f: {  	s9 =	smul.u32 $0xF7A, s1;
	s8 =	simm.s32 @!p0 $0x1BF5;
	p2 =	por !p2, p0  }
0x20: {  	[sflag:s8] =	ssyncset.s32 @!p0 $0xFFFFF086;
	s6 =	sadd.s32 @!p0 s3, s7;
	s7 =	simm.s32 @!p0 $0x108  }
0x21: {  	s3 =	sadd.s32 s3, s9;
	s6 =	sadd.s32 @!p0 $0x88, s6;
	s7 =	simm.s32 @p2 $0x1082  }
0x22: {  	[simem:s7], [sflag:s8] =	dma.local @!p0 [hbm:s6], $0xF7A  }
0x23: {  	s9 =	sor.u32 $0xD0000000, s2;
	s6 =	simm.s32 $0x108;
	_ =	swait.ge @!p0 [sflag:s8], $0x0  }
0x24: {  	s3 =	sadd.s32 $0x88, s3;
	s6 =	simm.s32 @!p1 $0x1082;
	[sflag:s4] =	ssyncset.s32 $0xFFFFF086  }
0x25: {  	[simem:s6], [sflag:s4] =	dma.local [hbm:s3], $0xF7A  }
0x26: {  	[smem:$0x3F99] =	sst s1;
	(tag) =	ssettag s2;
	_ =	strace s9  }
0x27: {  	s1 =	sld [smem:$0x3FA9]  }
0x28: {  	s2 =	sld [smem:$0x3FAA]  }
0x29: {  	s4 =	sld [smem:$0x3FAC]  }
0x2a: {  	p0 =	seq.s32 s5, $0x0;
	s5 =	sld [smem:$0x3FAD]  }
0x2b: {  	s6 =	sld [smem:$0x3FAE]  }
0x2c: {  	s7 =	sld [smem:$0x3FAF]  }
0x2d: {  	s3 =	simm.s32 $0x108;
	s8 =	sld [smem:$0x3FB0]  }
0x2e: {  	s3 =	simm.s32 @!p0 $0x1082;
	s9 =	sld [smem:$0x3FB1]  }
0x2f: {  	lr =	sadd.s32 s0, s3;
	s0 =	sld [smem:$0x3FA8]  }
0x30: {  	s3 =	sld [smem:$0x3FAB]  }
0x31: {  	[smem:$0x3FB4] =	sst s10  }
0x32: {  	s10 =	sld [smem:$0x3FB2];
	_ =	sdelay $0x3  }
0x33: {  	p0 =	seq.s32 s10, $0x1;
	s10 =	sld [smem:$0x3FB4];
	_ =	sdelay $0x3  }
0x34: {  	[smem:$0x3FB4] =	sst s10  }
0x35: {  	s10 =	sld [smem:$0x3FB3];
	_ =	sdelay $0x3  }
0x36: {  	p1 =	seq.s32 s10, $0x1;
	s10 =	sld [smem:$0x3FB4];
	_ =	sdelay $0x3  }
0x37: {  	[smem:$0x3FB4] =	sst s10  }
0x38: {  	s10 =	sld [smem:$0x3FB5]  }
0x39: {  	_ = 	snop;
	(pc) =	sbr.ind lr, $3  }
0x3a: {  	_ = 	snop  }
0x3b: {  	_ = 	snop  }
0x3c: {  	p2 =	seq.s32 s10, $0x1;
	s10 =	sld [smem:$0x3FB4]  }
0x3d: {  	_ =	shalt  }
0x3e: {  	_ =	shalt  }
0x3f: {  	_ =	shalt  }
0x40: {  	_ =	shalt  }
0x41: {  	_ =	shalt  }
0x42: {  	_ =	shalt  }
0x43: {  	_ =	shalt  }
0x44: {  	_ =	shalt  }
0x45: {  	_ =	shalt  }
0x46: {  	_ =	shalt  }
0x47: {  	_ =	shalt  }
0x48: {  	_ =	shalt  }
0x49: {  	_ =	shalt  }
0x4a: {  	_ =	shalt  }
0x4b: {  	_ =	shalt  }
0x4c: {  	_ =	shalt  }
0x4d: {  	_ =	shalt  }
0x4e: {  	_ =	shalt  }
0x4f: {  	_ =	shalt  }
0x50: {  	_ =	shalt  }
0x51: {  	_ =	shalt  }
0x52: {  	_ =	shalt  }
0x53: {  	_ =	shalt  }
0x54: {  	_ =	shalt  }
0x55: {  	_ =	shalt  }
0x56: {  	_ =	shalt  }
0x57: {  	_ =	shalt  }
0x58: {  	_ =	shalt  }
0x59: {  	_ =	shalt  }
0x5a: {  	_ =	shalt  }
0x5b: {  	_ =	shalt  }
0x5c: {  	_ =	shalt  }
0x5d: {  	_ =	shalt  }
0x5e: {  	_ =	shalt  }
0x5f: {  	_ =	shalt  }
0x60: {  	_ =	shalt  }
0x61: {  	_ =	shalt  }
0x62: {  	_ =	shalt  }
0x63: {  	_ =	shalt  }
0x64: {  	_ =	shalt  }
0x65: {  	_ =	shalt  }
0x66: {  	_ =	shalt  }
0x67: {  	_ =	shalt  }
0x68: {  	_ =	shalt  }
0x69: {  	_ =	shalt  }
0x6a: {  	_ =	shalt  }
0x6b: {  	_ =	shalt  }
0x6c: {  	_ =	shalt  }
0x6d: {  	_ =	shalt  }
0x6e: {  	_ =	shalt  }
0x6f: {  	_ =	shalt  }
0x70: {  	_ =	shalt  }
0x71: {  	_ =	shalt  }
0x72: {  	_ =	shalt  }
0x73: {  	_ =	shalt  }
0x74: {  	_ =	shalt  }
0x75: {  	_ =	shalt  }
0x76: {  	_ =	shalt  }
0x77: {  	_ =	shalt  }
0x78: {  	_ =	shalt  }
0x79: {  	_ =	shalt  }
0x7a: {  	_ =	shalt  }
0x7b: {  	_ =	shalt  }
0x7c: {  	_ =	shalt  }
0x7d: {  	_ =	shalt  }
0x7e: {  	_ =	shalt  }
0x7f: {  	_ =	shalt  }
0x80: {  	_ =	shalt  }
0x81: {  	_ =	shalt  }
0x82: {  	_ =	shalt  }
0x83: {  	_ =	shalt  }
0x84: {  	_ =	shalt  }
0x85: {  	_ =	shalt  }
0x86: {  	_ =	shalt  }
0x87: {  	_ =	shalt  }
.Lfunc_end0:
.L_simem_size_0:
called_computation_lowered:
.L_overlay_start_0:
0x88: {  	s2 =	sld [smem:$0x3FD9]  }
0x89: {  	s3 =	sld [smem:$0x3FFE];
	_ =	sdelay $0x1  }
0x8a: {  	s1 =	srdreg.scid  }
0x8b: {  	s0 =	sand.u32 $0x1, s1  }
0x8c: {  	s16 =	sshll.u32 s0, $0xA;
	s2 =	sadd.s32 s3, s2  }
0x8d: {  	s2 =	sadd.s32 s2, s16  }
0x8e: {  	[smem:$0x3FC0] =	sst s2  }
0x8f: {  	_ = 	snop  }
0x90: {  	(tm) =	ssettm $0x1  }
0x91: {  	s17 =	sld [smem:$0x3FFB];
	_ =	sdelay $0x3  }
0x92: {  	_ =	strace s17  }
0x93: {  	s2 =	sld [smem:$0x3FFC];
	_ =	sdelay $0x3  }
0x94: {  	_ =	strace s2  }
0x95: {  	s2 =	sld [smem:$0x3FFD];
	_ =	sdelay $0x3  }
0x96: {  	_ =	strace s2  }
0x97: {  	_ =	strace $0x8FFFFFFF  }
0x98: {  	s18 =	sld [smem:$0x3FDB];
	_ =	sdelay $0x1  }
0x99: {  	s19 =	simm.s32 $_scs_section_size  }
0x9a: {  	s4 =	simm.s32 $_size__tile_overlayer_lowered;
	s5 =	simm.s32 $_tile_overlayer_lowered  }
0x9b: {  	s22 =	simm.s32 $0x1BFF;
	s21 =	sshll.u32 s5, $0x1;
	s2 =	sadd.s32 s19, s18  }
0x9c: {  	s6 =	simm.s32 $0x0;
	s20 =	sshll.u32 s4, $0x1;
	s4 =	sadd.s32 s21, s2  }
0x9d: {  	[timem:s6], [sflag:s22] =	dma.local [hbm:s4], s20  }
0x9e: {  	_ =	swait.ge [sflag:s22], s20  }
0x9f: {  	s3 =	ssub.s32 $0x0, s20;
	[sflag:s22] =	ssyncset.done $0x0  }
0xa0: {  	[sflag:s22] =	ssyncadd.s32 s3;
	_ =	sdelay $0x1  }
0xa1: {  	s23 =	simm.s32 $0x1B8B  }
0xa2: {  	_ =	swait.ge [sflag:s23], $0x1  }
0xa3: {  	[sflag:s23] =	ssyncset.done $0x0  }
0xa4: {  	s25 =	simm.s32 $0x1B8E;
	s24 =	sld [smem:$0x3FFE];
	[sflag:s23] =	ssyncadd.s32 $0xFFFFFFFF  }
0xa5: {  	s26 =	simm.s32 $execute0_lowered;
	[smem:$0x3FD2] =	sst s25  }
0xa6: {  	s4 =	sshll.u32 s26, $0x1;
	_ =	strace $0x80000046;
	[dreg:$0x1] =	wrdreg $0xFFFFFFFF  }
0xa7: {  	s28 =	simm.s32 $_size_execute0_lowered;
	s2 =	sadd.s32 s2, s4;
	[dreg:$0x0] =	wrdreg $0x0  }
0xa8: {  	s4 =	sshll.u32 s28, $0x1;
	[dreg:$0x2] =	wrdreg s2  }
0xa9: {  	[dreg:$0x3] =	wrdreg s4  }
0xaa: {  	[dreg:$0x4] =	wrdreg $0xC0  }
0xab: {  	_ =	task [dreg:s6], $0x5FFFF  }
0xac: {  	[dreg:$0x1] =	wrdreg $0xFFFFFFFF  }
0xad: {  	[dreg:$0x0] =	wrdreg $0x60  }
0xae: {  	[dreg:$0x2] =	wrdreg s24  }
0xaf: {  	[dreg:$0x3] =	wrdreg $0x3800  }
0xb0: {  	[dreg:$0x4] =	wrdreg $0x9  }
0xb1: {  	_ =	task.clear_ibuf [dreg:s6], $0x5FFFF;
	_ =	strace $0x90000046  }
0xb2: {  	s29 =	simm.s32 $0x9;
	_ =	strace $0x80000048  }
0xb3: {  	_ =	swait.ge [sflag:s29], $0x1  }
0xb4: {  	[sflag:s29] =	ssyncadd.s32 $0xFFFFFFFF  }
0xb5: {  	_ =	strace $0x90000048  }
0xb6: {  	_ =	sfence  }
0xb7: {  	s30 =	sld [smem:$0x0];
	_ =	sdelay $0x2  }
0xb8: {  	s31 =	sshll.u32 s1, $0xD;
	s1 =	sshrl.u32 s1, $0x2  }
0xb9: {  	s3 =	sand.u32 $0x4000, s31;
	s1 =	sadd.s32 s1, s30  }
0xba: {  	s0 =	sor.u32 s3, s0;
	s1 =	sshll.u32 s1, $0x11  }
0xbb: {  	s0 =	sor.u32 s1, s0  }
0xbc: {  	s0 =	sadd.s32 $0x8F2B, s0  }
0xbd: {  	[sflag:s0] =	ssyncadd.remote.s32 $0x1  }
0xbe: {  	_ =	sfence.sel $0xFFFF  }
0xbf: {  	[dreg:$0x0] =	wrdreg $0xFFFFFFFF;
	(pc) =	sbr.abs _section_cstart, $3  }
0xc0: {  	[dreg:$0x1] =	wrdreg $0xFFFFFFFF  }
0xc1: {  	_ =	task.clear_ibuf [dreg:s6], $0x2FFFF;
	_ =	strace $0x9FFFFFFF  }
0xc2: {  	(tm) =	ssettm $0x7FFFFFFF  }
0xc3: {  	_ =	shalt  }
tec
execute0_lowered:
.L_overlay_start_1:
0x0: {  	(tag) =	ssettag $0x1  }
0x1: {  	s4 =	rddreg [dreg:$0x0]  }
0x2: {  	s1 =	rddreg [dreg:$0x1];
	s2 =	srdreg.scid  }
0x3: {  	s0 =	rddreg [dreg:$0x2];
	s5 =	sand.u32 $0x1, s2  }
0x4: {  	s3 =	simm.s32 $0x0;
	s2 =	stileid.u32;
	s6 =	smul.u32 $0x4F00, s5  }
0x5: {  	[smem:$0x7FF] =	sst s3;
	s7 =	smul.u32 $0x500, s2  }
0x6: {  	s11 =	simm.s32 $0x0;
	_ =	strace $0x80000047;
	s29 =	smul.u32 $0xA00, s2  }
0x7: {  	s8 =	sshll.u32 s5, $0x7;
	s5 =	ssub.s32 $0x2, s5;
	s10 =	smul.u32 $0x4F0, s2  }
0x8: {  	s9 =	sshrl.u32 s5, $0x1;
	s6 =	sadd.s32 s6, s4;
	s7 =	sor.u32 s8, s7  }
0x9: {  	s9 =	ssub.s32 s5, s9;
	s30 =	sshrl.u32 s29, $0x2;
	s8 =	simm.s32 $0x100  }
0xa: {  	s7 =	sshrl.u32 s7, $0x3;
	s31 =	sadd.s32 s10, s6;
	s6 =	smax.u32 s9, $0x1  }
0xb: {  	s9 =	simm.s32 $0x1;
	s10 =	simm.s32 $0x80;
	s7 =	sadd.s32 s7, s4  }
0xc: {  	v0 =	vimm.f32 $1.000000000e+00;
	v1 =	vimm.f32 $0.0e+00;
	s4 =	sadd.s32 s30, s1;
	s5 =	sadd.s32 $0xB400, s7;
	s7 =	sadd.s32 $0x1600, s31  }
.LBB2_1:
0xd: {  	[tilespmem:$0x80] =	vst v0  }
0xe: {  	[tilespmem:$0x90] =	vst v0  }
0xf: {  	[tilespmem:$0xA0] =	vst v0  }
0x10: {  	[tilespmem:$0xB0] =	vst v0  }
0x11: {  	[tilespmem:$0xC0] =	vst v0  }
0x12: {  	[tilespmem:$0xD0] =	vst v0  }
0x13: {  	[tilespmem:$0xE0] =	vst v0  }
0x14: {  	[tilespmem:$0xF0] =	vst v0  }
0x15: {  	[tilespmem:$0x100] =	vst v1  }
0x16: {  	[tilespmem:$0x110] =	vst v1  }
0x17: {  	[tilespmem:$0x120] =	vst v1  }
0x18: {  	[tilespmem:$0x130] =	vst v1  }
0x19: {  	[tilespmem:$0x140] =	vst v1  }
0x1a: {  	[tilespmem:$0x150] =	vst v1  }
0x1b: {  	[tilespmem:$0x160] =	vst v1  }
0x1c: {  	[tilespmem:$0x170] =	vst v1  }
0x1d: {  	[tilespmem:$0x180] =	vst v1  }
0x1e: {  	[tilespmem:$0x190] =	vst v1  }
0x1f: {  	[tilespmem:$0x1A0] =	vst v1  }
0x20: {  	[tilespmem:$0x1B0] =	vst v1  }
0x21: {  	[tilespmem:$0x1C0] =	vst v1  }
0x22: {  	[tilespmem:$0x1D0] =	vst v1  }
0x23: {  	[tilespmem:$0x1E0] =	vst v1  }
0x24: {  	[tilespmem:$0x1F0] =	vst v1  }
0x25: {  	[tilespmem:$0x200] =	vst v1  }
0x26: {  	[tilespmem:$0x210] =	vst v1  }
0x27: {  	[tilespmem:$0x220] =	vst v1  }
0x28: {  	[tilespmem:$0x230] =	vst v1  }
0x29: {  	[tilespmem:$0x240] =	vst v1  }
0x2a: {  	[tilespmem:$0x250] =	vst v1  }
0x2b: {  	[tilespmem:$0x260] =	vst v1  }
0x2c: {  	[tilespmem:$0x270] =	vst v1  }
0x2d: {  	[tilespmem:$0x280] =	vst v1  }
0x2e: {  	[tilespmem:$0x290] =	vst v1  }
0x2f: {  	[tilespmem:$0x2A0] =	vst v1  }
0x30: {  	[tilespmem:$0x2B0] =	vst v1  }
0x31: {  	[tilespmem:$0x2C0] =	vst v1  }
0x32: {  	[tilespmem:$0x2D0] =	vst v1  }
0x33: {  	[tilespmem:$0x2E0] =	vst v1  }
0x34: {  	[tilespmem:$0x2F0] =	vst v1  }
0x35: {  	[tilespmem:$0x300] =	vst v1  }
0x36: {  	[tilespmem:$0x310] =	vst v1  }
0x37: {  	[tilespmem:$0x320] =	vst v1  }
0x38: {  	[tilespmem:$0x330] =	vst v1  }
0x39: {  	[tilespmem:$0x340] =	vst v1  }
0x3a: {  	[tilespmem:$0x350] =	vst v1  }
0x3b: {  	[tilespmem:$0x360] =	vst v1  }
0x3c: {  	[tilespmem:$0x370] =	vst v1  }
0x3d: {  	[spmem:s4] =	stream.linear.scatter [tilespmem:s8], [sflag:$0x1], $0x280, $0x38;
	[tilespmem:$0x600] =	vst v63  }
0x3e: {  	_ =	swait.ge [sflag:s9], $0x280  }
0x3f: {  	[sflag:s9] =	ssyncset.done $0x0  }
0x40: {  	[sflag:s9] =	ssyncadd.s32 $0xFFFFFD80  }
0x41: {  	s12 =	sadd.s32 $0x0, s7;
	[bflag:$0x0] =	sbarrier.arrive $0xFFFF  }
0x42: {  	[tilespmem:s3], [sflag:$0x1] =	stream.linear.gather [hbm4b:s12+s3], $0x80, $0x38;
	[tilespmem:$0x600] =	vst v63  }
0x43: {  	_ =	swait.ge [sflag:s9], $0x80  }
0x44: {  	[sflag:s9] =	ssyncset.done $0x0  }
0x45: {  	[sflag:s9] =	ssyncadd.s32 $0xFFFFFF80  }
0x46: {  	[spmem:s1] =	stream.indirect.scatter.add.f32 [tilespmem:s10], [sflag:$0x1], $0x1, s3, s10, $0xb8;
	[tilespmem:$0x600] =	vst v63  }
0x47: {  	_ =	swait.ge [sflag:s9], $0x80  }
0x48: {  	s13 =	simm.s32 $0x20;
	s12 =	simm.s32 $0x10;
	[sflag:s9] =	ssyncset.done $0x0  }
.LBB2_2:
0x49: {  	s14 =	sadd.s32 s12, s7  }
0x4a: {  	[sflag:s9] =	ssyncadd.s32 $0xFFFFFF80;
	s12 =	smov.u32 s13;
	s15 =	sadd.s32 $0x10, s13  }
0x4b: {  	[tilespmem:s3], [sflag:$0x1] =	stream.linear.gather [hbm4b:s14+s3], $0x80, $0x38;
	[tilespmem:$0x600] =	vst v63  }
0x4c: {  	p0 =	sne.s32 s13, $0x4E0;
	_ =	swait.ge [sflag:s9], $0x80  }
.Ltmp0:
0x4d: {  	[sflag:s9] =	ssyncset.done $0x0;
	(pc) =	sbr.rel @p0 .LBB2_2-.Ltmp0, $4  }
0x4e: {  	[sflag:s9] =	ssyncadd.s32 $0xFFFFFF80  }
0x4f: {  	[spmem:s1] =	stream.indirect.scatter.add.f32 [tilespmem:s10], [sflag:$0x1], $0x1, s3, s10, $0xb8;
	[tilespmem:$0x600] =	vst v63  }
0x50: {  	_ =	swait.ge [sflag:s9], $0x80  }
0x51: {  	s13 =	smov.u32 s15;
	[sflag:s9] =	ssyncset.done $0x0  }
0x52: {  	s12 =	sadd.s32 s12, s7;
	[sflag:s9] =	ssyncadd.s32 $0xFFFFFF80  }
0x53: {  	[tilespmem:s3], [sflag:$0x1] =	stream.linear.gather [hbm4b:s12+s3], $0x80, $0x38;
	[tilespmem:$0x600] =	vst v63  }
0x54: {  	_ =	swait.ge [sflag:s9], $0x80  }
0x55: {  	[sflag:s9] =	ssyncset.done $0x0  }
0x56: {  	[sflag:s9] =	ssyncadd.s32 $0xFFFFFF80  }
0x57: {  	[spmem:s1] =	stream.indirect.scatter.add.f32 [tilespmem:s10], [sflag:$0x1], $0x1, s3, s10, $0xb8;
	[tilespmem:$0x600] =	vst v63  }
0x58: {  	_ =	swait.ge [sflag:s9], $0x80  }
0x59: {  	[sflag:s9] =	ssyncset.done $0x0  }
0x5a: {  	[sflag:s9] =	ssyncadd.s32 $0xFFFFFF80  }
0x5b: {  	[bflag:$0x0] =	sbarrier.arrive $0xFFFF  }
0x5c: {  	[tilespmem:s8], [sflag:$0x1] =	stream.linear.gather [spmem:s4], $0x280, $0x38;
	[tilespmem:$0x600] =	vst v63  }
0x5d: {  	s11 =	sadd.s32 $0x1, s11;
	_ =	swait.ge [sflag:s9], $0x280  }
0x5e: {  	p0 =	sne.s32 s11, s6;
	[sflag:s9] =	ssyncset.done $0x0  }
.Ltmp1:
0x5f: {  	[sflag:s9] =	ssyncadd.s32 $0xFFFFFD80;
	(pc) =	sbr.rel @p0 .LBB2_1-.Ltmp1, $4  }
0x60: {  	[hbm4b:s5+s10] =	stream.strided.scatter [tilespmem:s8], [sflag:$0x1], $0x280, s8, s10, $0x38;
	[tilespmem:$0x600] =	vst v63  }
0x61: {  	_ =	swait.ge [sflag:s9], $0x280  }
0x62: {  	[sflag:s9] =	ssyncset.done $0x0  }
0x63: {  	[sflag:s9] =	ssyncadd.s32 $0xFFFFFD80  }
0x64: {  	_ =	sfence.sel $0x180000  }
0x65: {  	[bflag:$0x0] =	sbarrier.arrive $0xFFFF  }
0x66: {  	p0 =	sne.s32 s2, $0x0;
	_ =	strace $0x90000047  }
0x67: {  	s0 =	sadd.s32 @!p0 $0x100000, s0;
	[bflag:$0x2] =	sbarrier.arrive $0xFFFF  }
0x68: {  	[sflag:s0] =	ssyncadd.tile.s32 @!p0 $0x1;
	_ =	shalt  }
.Lfunc_end2:
_tile_overlayer_lowered:
.L_overlay_start_2:
0x69: {  	(tag) =	ssettag $0x2  }
0x6a: {  	s0 =	rddreg [dreg:$0x0];
	s2 =	stileid.u32  }
0x6b: {  	s1 =	rddreg [dreg:$0x1];
	p0 =	sne.s32 s2, $0x0  }
0x6c: {  	s3 =	rddreg [dreg:$0x2];
	[bflag:$0x3] =	sbarrier.arrive $0xFFFF;
	s2 =	simm.s32 @!p0 $0x1C01  }
0x6d: {  	[timem:s3], [sflag:s2] =	dma.local @!p0 [hbm:s0], s1  }
0x6e: {  	s0 =	simm.s32 @!p0 $0x1  }
0x6f: {  	_ =	swait.ge @!p0 [sflag:s0], s1  }
0x70: {  	s1 =	ssub.s32 @!p0 $0x0, s1;
	[sflag:s0] =	ssyncset.done @!p0 $0x0  }
0x71: {  	[sflag:s0] =	ssyncadd.s32 @!p0 s1  }
0x72: {  	[bflag:$0x3] =	sbarrier.arrive $0xFFFF  }
0x73: {  	_ =	shalt  }

</sc_bundles>
